<compile_context>
chip_gen: v7x
topology: tpu7x:2x2x1
jax: 0.10.2.dev20260603
libtpu: 0.0.44.dev20260713+nightly
codegen_flags: <defaults>
</compile_context>

<pallas_src>
import functools

import jax
import jax.numpy as jnp
from jax import lax
from jax.experimental import pallas as pl
from jax.experimental.pallas import tpu as pltpu
from jax.experimental.pallas import tpu_sc as plsc

_K = 8
_HALF = 128


def _bf16_bits(f32x):
    u = lax.bitcast_convert_type(f32x, jnp.int32)
    r = (u >> 16) & 1
    return ((u + 0x7FFF + r) >> 16) & 0xFFFF


def _topk_body(x_ref, wq_ref, wk_ref, wv_ref, vt_ref, fidx_ref):
    c, n = x_ref.shape[1], x_ref.shape[2]
    b = pl.program_id(0)
    xb = x_ref[0]

    def nt_dot(a, bb):
        return lax.dot_general(a, bb, (((1,), (1,)), ((), ())),
                               preferred_element_type=jnp.float32)

    q = nt_dot(xb, wq_ref[...])
    k = nt_dot(xb, wk_ref[...])
    vtb = nt_dot(wv_ref[...], xb)
    lo = _bf16_bits(vtb[:, :_HALF])
    hi_f = jnp.concatenate(
        [vtb[:, _HALF:], jnp.zeros((n, 2 * _HALF - c), jnp.float32)], axis=1)
    vt_ref[0] = lo | (_bf16_bits(hi_f) << 16)

    ks = jnp.sqrt(jnp.sum(k * k, axis=0, keepdims=True))
    kn = k / jnp.maximum(ks, 1e-12)
    qs = jnp.sqrt(jnp.sum(q * q, axis=0, keepdims=True))
    qn = q / jnp.maximum(qs, 1e-12)

    sim = lax.dot_general(kn, qn, (((0,), (0,)), ((), ())),
                          preferred_element_type=jnp.float32)
    sim = jnp.maximum(sim, 0.0)

    iota_m = lax.broadcasted_iota(jnp.int32, (n, n), 1)
    ams = []
    for kk in range(_K):
        am = jnp.argmax(sim, axis=1, keepdims=True).astype(jnp.int32)
        if kk + 1 < _K:
            sim = jnp.where(iota_m == am, -1.0, sim)
        ams.append(am + b * n)
    fidx_ref[0] = jnp.transpose(jnp.concatenate(ams, axis=1), (1, 0))


def _conv_body(prime_ref, w3lo_ref, w3hi_ref, bias_ref, wo_ref, out_ref):
    n, c = prime_ref.shape[2], w3lo_ref.shape[2]
    xct = jnp.zeros((n, c), jnp.float32)
    for kk in range(_K):
        wrd = prime_ref[0, kk]
        lo = lax.bitcast_convert_type(wrd << 16, jnp.float32)
        hi = lax.bitcast_convert_type(wrd & jnp.int32(-65536), jnp.float32)
        xct = xct + lax.dot_general(
            lo, w3lo_ref[kk],
            (((1,), (0,)), ((), ())), preferred_element_type=jnp.float32)
        xct = xct + lax.dot_general(
            hi, w3hi_ref[kk],
            (((1,), (0,)), ((), ())), preferred_element_type=jnp.float32)
    xct = xct + bias_ref[...]
    out_ref[0] = lax.dot_general(xct, wo_ref[...], (((0,), (1,)), ((), ())),
                                 preferred_element_type=jnp.float32)


def _sc_gather(vt, fidx, c):
    r = fidx.shape[0]
    ncores, nsub = 2, 16
    nw = ncores * nsub
    per_w = r // nw
    gw = 128
    nwin = per_w // gw
    mesh = plsc.VectorSubcoreMesh(core_axis_name="c", subcore_axis_name="s")

    @functools.partial(
        pl.kernel, mesh=mesh,
        out_type=jax.ShapeDtypeStruct((r, c), jnp.int32),
        scratch_types=[
            pltpu.VMEM((gw,), jnp.int32),
            pltpu.VMEM((gw, c), jnp.int32),
            pltpu.SemaphoreType.DMA,
        ],
    )
    def sck(vt_hbm, idx_hbm, out_hbm, idx_v, rows_v, sem):
        wid = lax.axis_index("s") * ncores + lax.axis_index("c")
        base = wid * per_w

        def body(i, carry):
            start = base + i * gw
            pltpu.sync_copy(idx_hbm.at[pl.ds(start, gw)], idx_v)
            pltpu.async_copy(vt_hbm.at[idx_v], rows_v, sem).wait()
            pltpu.sync_copy(rows_v, out_hbm.at[pl.ds(start, gw)])
            return carry

        lax.fori_loop(0, nwin, body, 0)

    return sck(vt, fidx)


def kernel(x, Wq, Wk, Wv, Wo, conv_w, conv_b):
    b, c, h, w = x.shape
    n = h * w
    xf = x.reshape(b, c, n)
    w3 = conv_w.transpose(2, 1, 0)
    w3lo = w3[:, :_HALF, :]
    w3hi = jnp.concatenate(
        [w3[:, _HALF:, :], jnp.zeros((_K, 2 * _HALF - c, c), w3.dtype)],
        axis=1)
    bias = conv_b.reshape(1, c)

    full = lambda shp: pl.BlockSpec(shp, lambda i: tuple(0 for _ in shp))

    def topk_call(xh, bh):
        return pl.pallas_call(
            _topk_body,
            grid=(bh,),
            in_specs=[
                pl.BlockSpec((1, c, n), lambda i: (i, 0, 0)),
                full((n, n)), full((n, n)), full((n, n)),
            ],
            out_specs=[
                pl.BlockSpec((1, n, _HALF), lambda i: (i, 0, 0)),
                pl.BlockSpec((1, _K, n), lambda i: (i, 0, 0)),
            ],
            out_shape=[
                jax.ShapeDtypeStruct((bh, n, _HALF), jnp.int32),
                jax.ShapeDtypeStruct((bh, _K, n), jnp.int32),
            ],
        )(xh, Wq, Wk, Wv)

    def conv_call(prime, bh):
        return pl.pallas_call(
            _conv_body,
            grid=(bh,),
            in_specs=[
                pl.BlockSpec((1, _K, n, _HALF), lambda i: (i, 0, 0, 0)),
                full((_K, _HALF, c)),
                full((_K, _HALF, c)),
                full((1, c)),
                full((n, n)),
            ],
            out_specs=pl.BlockSpec((1, c, n), lambda i: (i, 0, 0)),
            out_shape=jax.ShapeDtypeStruct((bh, c, n), jnp.float32),
        )(prime.reshape(bh, _K, n, _HALF), w3lo, w3hi, bias, Wo)

    bh = b // 4
    outs = []
    for xh in (xf[:bh], xf[bh:2 * bh], xf[2 * bh:3 * bh], xf[3 * bh:]):
        vt, fidx = topk_call(xh, bh)
        prime = _sc_gather(vt.reshape(bh * n, _HALF),
                           fidx.reshape(bh * n * _K), _HALF)
        outs.append(conv_call(prime, bh))
    out = jnp.concatenate(outs, axis=0)
    return out.reshape(b, c, h, w)

# --- scband reference (transcript-rebuilt; emitter-appended) ---
"""Pipeline reference for scband-conv2d-nn-attn-44908178047126 (READ-ONLY COPY).

The authoritative reference and input builder live on the scoring server;
editing this copy changes nothing except your own understanding.
"""

import jax, jax.numpy as jnp
import numpy as np

B, C, H, W = 32, 192, 32, 32
N = H * W
K = 8


def _normalize(a, axis):
    n = jnp.sqrt(jnp.sum(a * a, axis=axis, keepdims=True))
    return a / jnp.maximum(n, 1e-12)


def setup_inputs(seed: int = 0) -> dict:
    key = jax.random.key(seed)
    ks = jax.random.split(key, 7)
    s = 1.0 / np.sqrt(N)
    return {
        "x": jax.random.normal(ks[0], (B, C, H, W), dtype=jnp.float32),
        "Wq": jax.random.normal(ks[1], (N, N), dtype=jnp.float32) * s,
        "Wk": jax.random.normal(ks[2], (N, N), dtype=jnp.float32) * s,
        "Wv": jax.random.normal(ks[3], (N, N), dtype=jnp.float32) * s,
        "Wo": jax.random.normal(ks[4], (N, N), dtype=jnp.float32) * s,
        "conv_w": jax.random.normal(ks[5], (C, C, K), dtype=jnp.float32) * (1.0 / np.sqrt(C * K)),
        "conv_b": jnp.zeros((C,), dtype=jnp.float32),
    }


def reference(x, Wq, Wk, Wv, Wo, conv_w, conv_b):
    b, c, h, w = x.shape
    xf = x.reshape(b, c, h * w)  # flatten(start_dim=2)
    # nn.Linear over the token (last) dim: y = x @ W.T
    k = jnp.einsum('bcn,mn->bcm', xf, Wk)
    v = jnp.einsum('bcn,mn->bcm', xf, Wv)
    q = jnp.einsum('bcn,mn->bcm', xf, Wq)
    # similarity matrix: normalize over channel dim, bmm(k^T, q), clamp min 0
    kn = _normalize(k, 1)
    qn = _normalize(q, 1)
    sim = jnp.clip(jnp.einsum('bcn,bcm->bnm', kn, qn), 0.0, None)  # [B, N, N]
    # K nearest neighbors (largest similarity) per token
    _, idx = jax.lax.top_k(sim, K)  # [B, N, K]
    # gather neighbor values: prime[b,c,i,k] = v[b,c,idx[b,i,k]]
    prime = jax.vmap(lambda vb, ib: vb[:, ib])(v, idx)  # [B, C, N, K]
    # conv1d kernel=K stride=K over flattened [B, C, N*K] == einsum over the K axis
    x_conv = jnp.einsum('bcnk,ock->bon', prime, conv_w) + conv_b[None, :, None]
    # output projection over token dim
    x_out = jnp.einsum('bcn,mn->bcm', x_conv, Wo)
    return x_out.reshape(b, conv_w.shape[0], h, w)

if __name__ == "__main__":
    import jax
    _d = setup_inputs()
    print(jax.jit(kernel)(*tuple(_d.values())))

</pallas_src>

<mosaic_0001>
#map = affine_map<(d0, d1) -> (0, 0)>
#map1 = affine_map<(d0, d1) -> (0)>
module attributes {stable_mosaic.version = 14 : i64} {
  func.func @sck(%arg0: i32, %arg1: i32, %arg2: memref<8192x128xi32, #tpu.memory_space<hbm>>, %arg3: memref<65536xi32, #tpu.memory_space<hbm>>, %arg4: memref<65536x128xi32, #tpu.memory_space<hbm>>, %arg5: memref<128xi32, #tpu.memory_space<vmem>>, %arg6: memref<128x128xi32, #tpu.memory_space<vmem>>, %arg7: memref<!tpu.dma_semaphore, #tpu.memory_space<semaphore_mem>>) attributes {dimension_semantics = [#tpu.dimension_semantics<core_parallel>, #tpu.dimension_semantics<subcore_parallel>], iteration_bounds = array<i64: 2, 16>, scalar_prefetch = 0 : i64, scratch_operands = 3 : i64, tpu.core_type = #tpu.core_type<sc_vector_subcore>, window_params = [{transform_indices = #map}, {transform_indices = #map1}, {transform_indices = #map}]} {
    %mul3A = arith.constant 2 : i32
    %mul3A_0 = arith.muli %arg1, %mul3A : i32
    %add3A = arith.addi %mul3A_0, %arg0 : i32
    %mul3A_1 = arith.constant 2048 : i32
    %mul3A_2 = arith.muli %add3A, %mul3A_1 : i32
    %scan3A = arith.constant 0 : i32
    %scan3A_3 = arith.constant 0 : i32
    %scan3A_4 = arith.constant 16 : i32
    %scan3A_5 = arith.addi %scan3A_3, %scan3A_4 : i32
    %scan3A_6 = arith.constant 1 : i32
    scf.for %scan3A_8 = %scan3A_3 to %scan3A_5 step %scan3A_6  : i32 {
      %mul3A_9 = arith.constant 128 : i32
      %mul3A_10 = arith.muli %scan3A_8, %mul3A_9 : i32
      %add3A_11 = arith.addi %mul3A_2, %mul3A_10 : i32
      "tpu.region"() ({
        %run_scoped3A = tpu.sem_alloc : memref<!tpu.dma_semaphore, #tpu.memory_space<semaphore_mem>>
        %dma_start3A_16 = tpu.memref_slice %arg3[%add3A_11] : memref<65536xi32, #tpu.memory_space<hbm>> -> memref<128xi32, #tpu.memory_space<hbm>>
        %dma_start3A_17 = tpu.memref_slice %arg3[%add3A_11] : memref<65536xi32, #tpu.memory_space<hbm>> -> memref<128xi32, #tpu.memory_space<hbm>>
        tpu.enqueue_dma source(%dma_start3A_17 : memref<128xi32, #tpu.memory_space<hbm>>) target(%arg5 : memref<128xi32, #tpu.memory_space<vmem>>) target_semaphore(%run_scoped3A : memref<!tpu.dma_semaphore, #tpu.memory_space<semaphore_mem>>)
        %dma_wait3A_18 = tpu.memref_slice %arg3[%add3A_11] : memref<65536xi32, #tpu.memory_space<hbm>> -> memref<128xi32, #tpu.memory_space<hbm>>
        %dma_wait3A_19 = tpu.memref_slice %arg3[%add3A_11] : memref<65536xi32, #tpu.memory_space<hbm>> -> memref<128xi32, #tpu.memory_space<hbm>>
        tpu.wait_dma2 semaphore(%run_scoped3A : memref<!tpu.dma_semaphore, #tpu.memory_space<semaphore_mem>>) src(%dma_wait3A_19 : memref<128xi32, #tpu.memory_space<hbm>>) dst(%arg5 : memref<128xi32, #tpu.memory_space<vmem>>)
        tpu.yield
      }) : () -> ()
      %dma_start3A = arith.constant 0 : i32
      %dma_start3A_12 = arith.constant 0 : i32
      %dma_start3A_13 = tpu.memref_slice %arg2[%dma_start3A, %dma_start3A_12] : memref<8192x128xi32, #tpu.memory_space<hbm>> -> memref<8192x128xi32, #tpu.memory_space<hbm>>
      tpu.enqueue_indirect_dma source(%dma_start3A_13 : memref<8192x128xi32, #tpu.memory_space<hbm>>) target(%arg6 : memref<128x128xi32, #tpu.memory_space<vmem>>) offsets(%arg5 : memref<128xi32, #tpu.memory_space<vmem>>) semaphore(%arg7 : memref<!tpu.dma_semaphore, #tpu.memory_space<semaphore_mem>>)
      %dma_wait3A = arith.constant 0 : i32
      %dma_wait3A_14 = arith.constant 0 : i32
      %dma_wait3A_15 = tpu.memref_slice %arg2[%dma_wait3A, %dma_wait3A_14] : memref<8192x128xi32, #tpu.memory_space<hbm>> -> memref<8192x128xi32, #tpu.memory_space<hbm>>
      tpu.wait_indirect_dma semaphore(%arg7 : memref<!tpu.dma_semaphore, #tpu.memory_space<semaphore_mem>>) src(%dma_wait3A_15 : memref<8192x128xi32, #tpu.memory_space<hbm>>) dst(%arg6 : memref<128x128xi32, #tpu.memory_space<vmem>>)
      "tpu.region"() ({
        %run_scoped3A = tpu.sem_alloc : memref<!tpu.dma_semaphore, #tpu.memory_space<semaphore_mem>>
        %dma_start3A_16 = arith.constant 0 : i32
        %dma_start3A_17 = tpu.memref_slice %arg4[%add3A_11, %dma_start3A_16] : memref<65536x128xi32, #tpu.memory_space<hbm>> -> memref<128x128xi32, #tpu.memory_space<hbm>>
        %dma_start3A_18 = arith.constant 0 : i32
        %dma_start3A_19 = tpu.memref_slice %arg4[%add3A_11, %dma_start3A_18] : memref<65536x128xi32, #tpu.memory_space<hbm>> -> memref<128x128xi32, #tpu.memory_space<hbm>>
        tpu.enqueue_dma source(%arg6 : memref<128x128xi32, #tpu.memory_space<vmem>>) target(%dma_start3A_19 : memref<128x128xi32, #tpu.memory_space<hbm>>) target_semaphore(%run_scoped3A : memref<!tpu.dma_semaphore, #tpu.memory_space<semaphore_mem>>)
        %dma_wait3A_20 = arith.constant 0 : i32
        %dma_wait3A_21 = tpu.memref_slice %arg4[%add3A_11, %dma_wait3A_20] : memref<65536x128xi32, #tpu.memory_space<hbm>> -> memref<128x128xi32, #tpu.memory_space<hbm>>
        %dma_wait3A_22 = arith.constant 0 : i32
        %dma_wait3A_23 = tpu.memref_slice %arg4[%add3A_11, %dma_wait3A_22] : memref<65536x128xi32, #tpu.memory_space<hbm>> -> memref<128x128xi32, #tpu.memory_space<hbm>>
        tpu.wait_dma2 semaphore(%run_scoped3A : memref<!tpu.dma_semaphore, #tpu.memory_space<semaphore_mem>>) src(%arg6 : memref<128x128xi32, #tpu.memory_space<vmem>>) dst(%dma_wait3A_23 : memref<128x128xi32, #tpu.memory_space<hbm>>)
        tpu.yield
      }) : () -> ()
    }
    %scan3A_7 = arith.constant 16 : i32
    return
  }
}

#map = affine_map<(d0, d1) -> (0, 0)>
#map1 = affine_map<(d0, d1) -> (0)>
module attributes {stable_mosaic.version = 14 : i64} {
  func.func @sck(%arg0: i32, %arg1: i32, %arg2: memref<8192x128xi32, #tpu.memory_space<hbm>>, %arg3: memref<65536xi32, #tpu.memory_space<hbm>>, %arg4: memref<65536x128xi32, #tpu.memory_space<hbm>>, %arg5: memref<128xi32, #tpu.memory_space<vmem>>, %arg6: memref<128x128xi32, #tpu.memory_space<vmem>>, %arg7: memref<!tpu.dma_semaphore, #tpu.memory_space<semaphore_mem>>) attributes {dimension_semantics = [#tpu.dimension_semantics<core_parallel>, #tpu.dimension_semantics<subcore_parallel>], iteration_bounds = array<i64: 2, 16>, scalar_prefetch = 0 : i64, scratch_operands = 3 : i64, tpu.core_type = #tpu.core_type<sc_vector_subcore>, window_params = [{transform_indices = #map}, {transform_indices = #map1}, {transform_indices = #map}]} {
    %mul3A = arith.constant 2 : i32
    %mul3A_0 = arith.muli %arg1, %mul3A : i32
    %add3A = arith.addi %mul3A_0, %arg0 : i32
    %mul3A_1 = arith.constant 2048 : i32
    %mul3A_2 = arith.muli %add3A, %mul3A_1 : i32
    %scan3A = arith.constant 0 : i32
    %scan3A_3 = arith.constant 0 : i32
    %scan3A_4 = arith.constant 16 : i32
    %scan3A_5 = arith.addi %scan3A_3, %scan3A_4 : i32
    %scan3A_6 = arith.constant 1 : i32
    scf.for %scan3A_8 = %scan3A_3 to %scan3A_5 step %scan3A_6  : i32 {
      %mul3A_9 = arith.constant 128 : i32
      %mul3A_10 = arith.muli %scan3A_8, %mul3A_9 : i32
      %add3A_11 = arith.addi %mul3A_2, %mul3A_10 : i32
      "tpu.region"() ({
        %run_scoped3A = tpu.sem_alloc : memref<!tpu.dma_semaphore, #tpu.memory_space<semaphore_mem>>
        %dma_start3A_16 = tpu.memref_slice %arg3[%add3A_11] : memref<65536xi32, #tpu.memory_space<hbm>> -> memref<128xi32, #tpu.memory_space<hbm>>
        %dma_start3A_17 = tpu.memref_slice %arg3[%add3A_11] : memref<65536xi32, #tpu.memory_space<hbm>> -> memref<128xi32, #tpu.memory_space<hbm>>
        tpu.enqueue_dma source(%dma_start3A_17 : memref<128xi32, #tpu.memory_space<hbm>>) target(%arg5 : memref<128xi32, #tpu.memory_space<vmem>>) target_semaphore(%run_scoped3A : memref<!tpu.dma_semaphore, #tpu.memory_space<semaphore_mem>>)
        %dma_wait3A_18 = tpu.memref_slice %arg3[%add3A_11] : memref<65536xi32, #tpu.memory_space<hbm>> -> memref<128xi32, #tpu.memory_space<hbm>>
        %dma_wait3A_19 = tpu.memref_slice %arg3[%add3A_11] : memref<65536xi32, #tpu.memory_space<hbm>> -> memref<128xi32, #tpu.memory_space<hbm>>
        tpu.wait_dma2 semaphore(%run_scoped3A : memref<!tpu.dma_semaphore, #tpu.memory_space<semaphore_mem>>) src(%dma_wait3A_19 : memref<128xi32, #tpu.memory_space<hbm>>) dst(%arg5 : memref<128xi32, #tpu.memory_space<vmem>>)
        tpu.yield
      }) : () -> ()
      %dma_start3A = arith.constant 0 : i32
      %dma_start3A_12 = arith.constant 0 : i32
      %dma_start3A_13 = tpu.memref_slice %arg2[%dma_start3A, %dma_start3A_12] : memref<8192x128xi32, #tpu.memory_space<hbm>> -> memref<8192x128xi32, #tpu.memory_space<hbm>>
      tpu.enqueue_indirect_dma source(%dma_start3A_13 : memref<8192x128xi32, #tpu.memory_space<hbm>>) target(%arg6 : memref<128x128xi32, #tpu.memory_space<vmem>>) offsets(%arg5 : memref<128xi32, #tpu.memory_space<vmem>>) semaphore(%arg7 : memref<!tpu.dma_semaphore, #tpu.memory_space<semaphore_mem>>)
      %dma_wait3A = arith.constant 0 : i32
      %dma_wait3A_14 = arith.constant 0 : i32
      %dma_wait3A_15 = tpu.memref_slice %arg2[%dma_wait3A, %dma_wait3A_14] : memref<8192x128xi32, #tpu.memory_space<hbm>> -> memref<8192x128xi32, #tpu.memory_space<hbm>>
      tpu.wait_indirect_dma semaphore(%arg7 : memref<!tpu.dma_semaphore, #tpu.memory_space<semaphore_mem>>) src(%dma_wait3A_15 : memref<8192x128xi32, #tpu.memory_space<hbm>>) dst(%arg6 : memref<128x128xi32, #tpu.memory_space<vmem>>)
      "tpu.region"() ({
        %run_scoped3A = tpu.sem_alloc : memref<!tpu.dma_semaphore, #tpu.memory_space<semaphore_mem>>
        %dma_start3A_16 = arith.constant 0 : i32
        %dma_start3A_17 = tpu.memref_slice %arg4[%add3A_11, %dma_start3A_16] : memref<65536x128xi32, #tpu.memory_space<hbm>> -> memref<128x128xi32, #tpu.memory_space<hbm>>
        %dma_start3A_18 = arith.constant 0 : i32
        %dma_start3A_19 = tpu.memref_slice %arg4[%add3A_11, %dma_start3A_18] : memref<65536x128xi32, #tpu.memory_space<hbm>> -> memref<128x128xi32, #tpu.memory_space<hbm>>
        tpu.enqueue_dma source(%arg6 : memref<128x128xi32, #tpu.memory_space<vmem>>) target(%dma_start3A_19 : memref<128x128xi32, #tpu.memory_space<hbm>>) target_semaphore(%run_scoped3A : memref<!tpu.dma_semaphore, #tpu.memory_space<semaphore_mem>>)
        %dma_wait3A_20 = arith.constant 0 : i32
        %dma_wait3A_21 = tpu.memref_slice %arg4[%add3A_11, %dma_wait3A_20] : memref<65536x128xi32, #tpu.memory_space<hbm>> -> memref<128x128xi32, #tpu.memory_space<hbm>>
        %dma_wait3A_22 = arith.constant 0 : i32
        %dma_wait3A_23 = tpu.memref_slice %arg4[%add3A_11, %dma_wait3A_22] : memref<65536x128xi32, #tpu.memory_space<hbm>> -> memref<128x128xi32, #tpu.memory_space<hbm>>
        tpu.wait_dma2 semaphore(%run_scoped3A : memref<!tpu.dma_semaphore, #tpu.memory_space<semaphore_mem>>) src(%arg6 : memref<128x128xi32, #tpu.memory_space<vmem>>) dst(%dma_wait3A_23 : memref<128x128xi32, #tpu.memory_space<hbm>>)
        tpu.yield
      }) : () -> ()
    }
    %scan3A_7 = arith.constant 16 : i32
    return
  }
}

#map = affine_map<(d0, d1) -> (0, 0)>
#map1 = affine_map<(d0, d1) -> (0)>
module attributes {stable_mosaic.version = 14 : i64} {
  func.func @sck(%arg0: i32, %arg1: i32, %arg2: memref<8192x128xi32, #tpu.memory_space<hbm>>, %arg3: memref<65536xi32, #tpu.memory_space<hbm>>, %arg4: memref<65536x128xi32, #tpu.memory_space<hbm>>, %arg5: memref<128xi32, #tpu.memory_space<vmem>>, %arg6: memref<128x128xi32, #tpu.memory_space<vmem>>, %arg7: memref<!tpu.dma_semaphore, #tpu.memory_space<semaphore_mem>>) attributes {dimension_semantics = [#tpu.dimension_semantics<core_parallel>, #tpu.dimension_semantics<subcore_parallel>], iteration_bounds = array<i64: 2, 16>, scalar_prefetch = 0 : i64, scratch_operands = 3 : i64, tpu.core_type = #tpu.core_type<sc_vector_subcore>, window_params = [{transform_indices = #map}, {transform_indices = #map1}, {transform_indices = #map}]} {
    %mul3A = arith.constant 2 : i32
    %mul3A_0 = arith.muli %arg1, %mul3A : i32
    %add3A = arith.addi %mul3A_0, %arg0 : i32
    %mul3A_1 = arith.constant 2048 : i32
    %mul3A_2 = arith.muli %add3A, %mul3A_1 : i32
    %scan3A = arith.constant 0 : i32
    %scan3A_3 = arith.constant 0 : i32
    %scan3A_4 = arith.constant 16 : i32
    %scan3A_5 = arith.addi %scan3A_3, %scan3A_4 : i32
    %scan3A_6 = arith.constant 1 : i32
    scf.for %scan3A_8 = %scan3A_3 to %scan3A_5 step %scan3A_6  : i32 {
      %mul3A_9 = arith.constant 128 : i32
      %mul3A_10 = arith.muli %scan3A_8, %mul3A_9 : i32
      %add3A_11 = arith.addi %mul3A_2, %mul3A_10 : i32
      "tpu.region"() ({
        %run_scoped3A = tpu.sem_alloc : memref<!tpu.dma_semaphore, #tpu.memory_space<semaphore_mem>>
        %dma_start3A_16 = tpu.memref_slice %arg3[%add3A_11] : memref<65536xi32, #tpu.memory_space<hbm>> -> memref<128xi32, #tpu.memory_space<hbm>>
        %dma_start3A_17 = tpu.memref_slice %arg3[%add3A_11] : memref<65536xi32, #tpu.memory_space<hbm>> -> memref<128xi32, #tpu.memory_space<hbm>>
        tpu.enqueue_dma source(%dma_start3A_17 : memref<128xi32, #tpu.memory_space<hbm>>) target(%arg5 : memref<128xi32, #tpu.memory_space<vmem>>) target_semaphore(%run_scoped3A : memref<!tpu.dma_semaphore, #tpu.memory_space<semaphore_mem>>)
        %dma_wait3A_18 = tpu.memref_slice %arg3[%add3A_11] : memref<65536xi32, #tpu.memory_space<hbm>> -> memref<128xi32, #tpu.memory_space<hbm>>
        %dma_wait3A_19 = tpu.memref_slice %arg3[%add3A_11] : memref<65536xi32, #tpu.memory_space<hbm>> -> memref<128xi32, #tpu.memory_space<hbm>>
        tpu.wait_dma2 semaphore(%run_scoped3A : memref<!tpu.dma_semaphore, #tpu.memory_space<semaphore_mem>>) src(%dma_wait3A_19 : memref<128xi32, #tpu.memory_space<hbm>>) dst(%arg5 : memref<128xi32, #tpu.memory_space<vmem>>)
        tpu.yield
      }) : () -> ()
      %dma_start3A = arith.constant 0 : i32
      %dma_start3A_12 = arith.constant 0 : i32
      %dma_start3A_13 = tpu.memref_slice %arg2[%dma_start3A, %dma_start3A_12] : memref<8192x128xi32, #tpu.memory_space<hbm>> -> memref<8192x128xi32, #tpu.memory_space<hbm>>
      tpu.enqueue_indirect_dma source(%dma_start3A_13 : memref<8192x128xi32, #tpu.memory_space<hbm>>) target(%arg6 : memref<128x128xi32, #tpu.memory_space<vmem>>) offsets(%arg5 : memref<128xi32, #tpu.memory_space<vmem>>) semaphore(%arg7 : memref<!tpu.dma_semaphore, #tpu.memory_space<semaphore_mem>>)
      %dma_wait3A = arith.constant 0 : i32
      %dma_wait3A_14 = arith.constant 0 : i32
      %dma_wait3A_15 = tpu.memref_slice %arg2[%dma_wait3A, %dma_wait3A_14] : memref<8192x128xi32, #tpu.memory_space<hbm>> -> memref<8192x128xi32, #tpu.memory_space<hbm>>
      tpu.wait_indirect_dma semaphore(%arg7 : memref<!tpu.dma_semaphore, #tpu.memory_space<semaphore_mem>>) src(%dma_wait3A_15 : memref<8192x128xi32, #tpu.memory_space<hbm>>) dst(%arg6 : memref<128x128xi32, #tpu.memory_space<vmem>>)
      "tpu.region"() ({
        %run_scoped3A = tpu.sem_alloc : memref<!tpu.dma_semaphore, #tpu.memory_space<semaphore_mem>>
        %dma_start3A_16 = arith.constant 0 : i32
        %dma_start3A_17 = tpu.memref_slice %arg4[%add3A_11, %dma_start3A_16] : memref<65536x128xi32, #tpu.memory_space<hbm>> -> memref<128x128xi32, #tpu.memory_space<hbm>>
        %dma_start3A_18 = arith.constant 0 : i32
        %dma_start3A_19 = tpu.memref_slice %arg4[%add3A_11, %dma_start3A_18] : memref<65536x128xi32, #tpu.memory_space<hbm>> -> memref<128x128xi32, #tpu.memory_space<hbm>>
        tpu.enqueue_dma source(%arg6 : memref<128x128xi32, #tpu.memory_space<vmem>>) target(%dma_start3A_19 : memref<128x128xi32, #tpu.memory_space<hbm>>) target_semaphore(%run_scoped3A : memref<!tpu.dma_semaphore, #tpu.memory_space<semaphore_mem>>)
        %dma_wait3A_20 = arith.constant 0 : i32
        %dma_wait3A_21 = tpu.memref_slice %arg4[%add3A_11, %dma_wait3A_20] : memref<65536x128xi32, #tpu.memory_space<hbm>> -> memref<128x128xi32, #tpu.memory_space<hbm>>
        %dma_wait3A_22 = arith.constant 0 : i32
        %dma_wait3A_23 = tpu.memref_slice %arg4[%add3A_11, %dma_wait3A_22] : memref<65536x128xi32, #tpu.memory_space<hbm>> -> memref<128x128xi32, #tpu.memory_space<hbm>>
        tpu.wait_dma2 semaphore(%run_scoped3A : memref<!tpu.dma_semaphore, #tpu.memory_space<semaphore_mem>>) src(%arg6 : memref<128x128xi32, #tpu.memory_space<vmem>>) dst(%dma_wait3A_23 : memref<128x128xi32, #tpu.memory_space<hbm>>)
        tpu.yield
      }) : () -> ()
    }
    %scan3A_7 = arith.constant 16 : i32
    return
  }
}

#map = affine_map<(d0, d1) -> (0, 0)>
#map1 = affine_map<(d0, d1) -> (0)>
module attributes {stable_mosaic.version = 14 : i64} {
  func.func @sck(%arg0: i32, %arg1: i32, %arg2: memref<8192x128xi32, #tpu.memory_space<hbm>>, %arg3: memref<65536xi32, #tpu.memory_space<hbm>>, %arg4: memref<65536x128xi32, #tpu.memory_space<hbm>>, %arg5: memref<128xi32, #tpu.memory_space<vmem>>, %arg6: memref<128x128xi32, #tpu.memory_space<vmem>>, %arg7: memref<!tpu.dma_semaphore, #tpu.memory_space<semaphore_mem>>) attributes {dimension_semantics = [#tpu.dimension_semantics<core_parallel>, #tpu.dimension_semantics<subcore_parallel>], iteration_bounds = array<i64: 2, 16>, scalar_prefetch = 0 : i64, scratch_operands = 3 : i64, tpu.core_type = #tpu.core_type<sc_vector_subcore>, window_params = [{transform_indices = #map}, {transform_indices = #map1}, {transform_indices = #map}]} {
    %mul3A = arith.constant 2 : i32
    %mul3A_0 = arith.muli %arg1, %mul3A : i32
    %add3A = arith.addi %mul3A_0, %arg0 : i32
    %mul3A_1 = arith.constant 2048 : i32
    %mul3A_2 = arith.muli %add3A, %mul3A_1 : i32
    %scan3A = arith.constant 0 : i32
    %scan3A_3 = arith.constant 0 : i32
    %scan3A_4 = arith.constant 16 : i32
    %scan3A_5 = arith.addi %scan3A_3, %scan3A_4 : i32
    %scan3A_6 = arith.constant 1 : i32
    scf.for %scan3A_8 = %scan3A_3 to %scan3A_5 step %scan3A_6  : i32 {
      %mul3A_9 = arith.constant 128 : i32
      %mul3A_10 = arith.muli %scan3A_8, %mul3A_9 : i32
      %add3A_11 = arith.addi %mul3A_2, %mul3A_10 : i32
      "tpu.region"() ({
        %run_scoped3A = tpu.sem_alloc : memref<!tpu.dma_semaphore, #tpu.memory_space<semaphore_mem>>
        %dma_start3A_16 = tpu.memref_slice %arg3[%add3A_11] : memref<65536xi32, #tpu.memory_space<hbm>> -> memref<128xi32, #tpu.memory_space<hbm>>
        %dma_start3A_17 = tpu.memref_slice %arg3[%add3A_11] : memref<65536xi32, #tpu.memory_space<hbm>> -> memref<128xi32, #tpu.memory_space<hbm>>
        tpu.enqueue_dma source(%dma_start3A_17 : memref<128xi32, #tpu.memory_space<hbm>>) target(%arg5 : memref<128xi32, #tpu.memory_space<vmem>>) target_semaphore(%run_scoped3A : memref<!tpu.dma_semaphore, #tpu.memory_space<semaphore_mem>>)
        %dma_wait3A_18 = tpu.memref_slice %arg3[%add3A_11] : memref<65536xi32, #tpu.memory_space<hbm>> -> memref<128xi32, #tpu.memory_space<hbm>>
        %dma_wait3A_19 = tpu.memref_slice %arg3[%add3A_11] : memref<65536xi32, #tpu.memory_space<hbm>> -> memref<128xi32, #tpu.memory_space<hbm>>
        tpu.wait_dma2 semaphore(%run_scoped3A : memref<!tpu.dma_semaphore, #tpu.memory_space<semaphore_mem>>) src(%dma_wait3A_19 : memref<128xi32, #tpu.memory_space<hbm>>) dst(%arg5 : memref<128xi32, #tpu.memory_space<vmem>>)
        tpu.yield
      }) : () -> ()
      %dma_start3A = arith.constant 0 : i32
      %dma_start3A_12 = arith.constant 0 : i32
      %dma_start3A_13 = tpu.memref_slice %arg2[%dma_start3A, %dma_start3A_12] : memref<8192x128xi32, #tpu.memory_space<hbm>> -> memref<8192x128xi32, #tpu.memory_space<hbm>>
      tpu.enqueue_indirect_dma source(%dma_start3A_13 : memref<8192x128xi32, #tpu.memory_space<hbm>>) target(%arg6 : memref<128x128xi32, #tpu.memory_space<vmem>>) offsets(%arg5 : memref<128xi32, #tpu.memory_space<vmem>>) semaphore(%arg7 : memref<!tpu.dma_semaphore, #tpu.memory_space<semaphore_mem>>)
      %dma_wait3A = arith.constant 0 : i32
      %dma_wait3A_14 = arith.constant 0 : i32
      %dma_wait3A_15 = tpu.memref_slice %arg2[%dma_wait3A, %dma_wait3A_14] : memref<8192x128xi32, #tpu.memory_space<hbm>> -> memref<8192x128xi32, #tpu.memory_space<hbm>>
      tpu.wait_indirect_dma semaphore(%arg7 : memref<!tpu.dma_semaphore, #tpu.memory_space<semaphore_mem>>) src(%dma_wait3A_15 : memref<8192x128xi32, #tpu.memory_space<hbm>>) dst(%arg6 : memref<128x128xi32, #tpu.memory_space<vmem>>)
      "tpu.region"() ({
        %run_scoped3A = tpu.sem_alloc : memref<!tpu.dma_semaphore, #tpu.memory_space<semaphore_mem>>
        %dma_start3A_16 = arith.constant 0 : i32
        %dma_start3A_17 = tpu.memref_slice %arg4[%add3A_11, %dma_start3A_16] : memref<65536x128xi32, #tpu.memory_space<hbm>> -> memref<128x128xi32, #tpu.memory_space<hbm>>
        %dma_start3A_18 = arith.constant 0 : i32
        %dma_start3A_19 = tpu.memref_slice %arg4[%add3A_11, %dma_start3A_18] : memref<65536x128xi32, #tpu.memory_space<hbm>> -> memref<128x128xi32, #tpu.memory_space<hbm>>
        tpu.enqueue_dma source(%arg6 : memref<128x128xi32, #tpu.memory_space<vmem>>) target(%dma_start3A_19 : memref<128x128xi32, #tpu.memory_space<hbm>>) target_semaphore(%run_scoped3A : memref<!tpu.dma_semaphore, #tpu.memory_space<semaphore_mem>>)
        %dma_wait3A_20 = arith.constant 0 : i32
        %dma_wait3A_21 = tpu.memref_slice %arg4[%add3A_11, %dma_wait3A_20] : memref<65536x128xi32, #tpu.memory_space<hbm>> -> memref<128x128xi32, #tpu.memory_space<hbm>>
        %dma_wait3A_22 = arith.constant 0 : i32
        %dma_wait3A_23 = tpu.memref_slice %arg4[%add3A_11, %dma_wait3A_22] : memref<65536x128xi32, #tpu.memory_space<hbm>> -> memref<128x128xi32, #tpu.memory_space<hbm>>
        tpu.wait_dma2 semaphore(%run_scoped3A : memref<!tpu.dma_semaphore, #tpu.memory_space<semaphore_mem>>) src(%arg6 : memref<128x128xi32, #tpu.memory_space<vmem>>) dst(%dma_wait3A_23 : memref<128x128xi32, #tpu.memory_space<hbm>>)
        tpu.yield
      }) : () -> ()
    }
    %scan3A_7 = arith.constant 16 : i32
    return
  }
}

module attributes {stable_mosaic.version = 14 : i64} {
  func.func @_topk_body(%arg0: i32, %arg1: memref<1x192x1024xf32, #tpu.memory_space<vmem>>, %arg2: memref<1024x1024xf32, #tpu.memory_space<vmem>>, %arg3: memref<1024x1024xf32, #tpu.memory_space<vmem>>, %arg4: memref<1024x1024xf32, #tpu.memory_space<vmem>>, %arg5: memref<1x1024x128xi32, #tpu.memory_space<vmem>>, %arg6: memref<1x8x1024xi32, #tpu.memory_space<vmem>>) attributes {dimension_semantics = [#tpu.dimension_semantics<arbitrary>], iteration_bounds = array<i64: 8>, scalar_prefetch = 0 : i64, scratch_operands = 0 : i64, tpu.core_type = #tpu.core_type<tc>, window_params = [{transform_indices = @transform_0, window_bounds = array<i64: 1, 192, 1024>}, {pipeline_mode = #tpu.pipeline_mode<synchronous>, transform_indices = @transform_1, window_bounds = array<i64: 1024, 1024>}, {pipeline_mode = #tpu.pipeline_mode<synchronous>, transform_indices = @transform_2, window_bounds = array<i64: 1024, 1024>}, {pipeline_mode = #tpu.pipeline_mode<synchronous>, transform_indices = @transform_3, window_bounds = array<i64: 1024, 1024>}, {transform_indices = @transform_4, window_bounds = array<i64: 1, 1024, 128>}, {transform_indices = @transform_5, window_bounds = array<i64: 1, 8, 1024>}]} {
    %get3A = arith.constant 0 : index
    %get3A_0 = arith.constant 0 : index
    %get3A_1 = arith.constant 0 : index
    %get3A_2 = vector.load %arg1[%get3A, %get3A_0, %get3A_1] : memref<1x192x1024xf32, #tpu.memory_space<vmem>>, vector<1x192x1024xf32>
    %get3A_3 = vector.shape_cast %get3A_2 : vector<1x192x1024xf32> to vector<192x1024xf32>
    %get3A_4 = arith.constant 0 : index
    %get3A_5 = arith.constant 0 : index
    %get3A_6 = vector.load %arg2[%get3A_4, %get3A_5] : memref<1024x1024xf32, #tpu.memory_space<vmem>>, vector<1024x1024xf32>
    %dot_general3A = arith.constant dense<0.000000e+00> : vector<192x1024xf32>
    %dot_general3A_7 = tpu.matmul %get3A_3, %get3A_6, %dot_general3A {dimension_numbers = #tpu.dot_dimension_numbers<[1], [1], [0], [0], [0, 0, 1, 0], [], []>, transpose_lhs_hint = false} : vector<192x1024xf32>, vector<1024x1024xf32>, vector<192x1024xf32> -> vector<192x1024xf32>
    %get3A_8 = arith.constant 0 : index
    %get3A_9 = arith.constant 0 : index
    %get3A_10 = vector.load %arg3[%get3A_8, %get3A_9] : memref<1024x1024xf32, #tpu.memory_space<vmem>>, vector<1024x1024xf32>
    %dot_general3A_11 = arith.constant dense<0.000000e+00> : vector<192x1024xf32>
    %dot_general3A_12 = tpu.matmul %get3A_3, %get3A_10, %dot_general3A_11 {dimension_numbers = #tpu.dot_dimension_numbers<[1], [1], [0], [0], [0, 0, 1, 0], [], []>, transpose_lhs_hint = false} : vector<192x1024xf32>, vector<1024x1024xf32>, vector<192x1024xf32> -> vector<192x1024xf32>
    %get3A_13 = arith.constant 0 : index
    %get3A_14 = arith.constant 0 : index
    %get3A_15 = vector.load %arg4[%get3A_13, %get3A_14] : memref<1024x1024xf32, #tpu.memory_space<vmem>>, vector<1024x1024xf32>
    %dot_general3A_16 = arith.constant dense<0.000000e+00> : vector<1024x192xf32>
    %dot_general3A_17 = tpu.matmul %get3A_15, %get3A_3, %dot_general3A_16 {dimension_numbers = #tpu.dot_dimension_numbers<[1], [1], [0], [0], [0, 0, 1, 0], [], []>, transpose_lhs_hint = false} : vector<1024x1024xf32>, vector<192x1024xf32>, vector<1024x192xf32> -> vector<1024x192xf32>
    %slice3A = vector.extract_strided_slice %dot_general3A_17 {offsets = [0, 0], sizes = [1024, 128], strides = [1, 1]} : vector<1024x192xf32> to vector<1024x128xf32>
    %bitcast_convert_type3A = tpu.bitcast %slice3A : vector<1024x128xf32> -> vector<1024x128xi32>
    %shift_right_arithmetic3A = arith.constant 16 : i32
    %shift_right_arithmetic3A_18 = vector.broadcast %shift_right_arithmetic3A : i32 to vector<1024x128xi32>
    %shift_right_arithmetic3A_19 = arith.shrsi %bitcast_convert_type3A, %shift_right_arithmetic3A_18 : vector<1024x128xi32>
    %and3A = arith.constant 1 : i32
    %and3A_20 = vector.broadcast %and3A : i32 to vector<1024x128xi32>
    %and3A_21 = arith.andi %shift_right_arithmetic3A_19, %and3A_20 : vector<1024x128xi32>
    %add3A = arith.constant 32767 : i32
    %add3A_22 = vector.broadcast %add3A : i32 to vector<1024x128xi32>
    %add3A_23 = arith.addi %bitcast_convert_type3A, %add3A_22 : vector<1024x128xi32>
    %add3A_24 = arith.addi %add3A_23, %and3A_21 : vector<1024x128xi32>
    %shift_right_arithmetic3A_25 = arith.constant 16 : i32
    %shift_right_arithmetic3A_26 = vector.broadcast %shift_right_arithmetic3A_25 : i32 to vector<1024x128xi32>
    %shift_right_arithmetic3A_27 = arith.shrsi %add3A_24, %shift_right_arithmetic3A_26 : vector<1024x128xi32>
    %and3A_28 = arith.constant 65535 : i32
    %and3A_29 = vector.broadcast %and3A_28 : i32 to vector<1024x128xi32>
    %and3A_30 = arith.andi %shift_right_arithmetic3A_27, %and3A_29 : vector<1024x128xi32>
    %slice3A_31 = vector.extract_strided_slice %dot_general3A_17 {offsets = [0, 128], sizes = [1024, 64], strides = [1, 1]} : vector<1024x192xf32> to vector<1024x64xf32>
    %broadcast_in_dim3A = arith.constant 0.000000e+00 : f32
    %broadcast_in_dim3A_32 = vector.broadcast %broadcast_in_dim3A : f32 to vector<1024x64xf32>
    %concatenate3A = tpu.concatenate %slice3A_31, %broadcast_in_dim3A_32 in 1 : vector<1024x64xf32>, vector<1024x64xf32> -> vector<1024x128xf32>
    %bitcast_convert_type3A_33 = tpu.bitcast %concatenate3A : vector<1024x128xf32> -> vector<1024x128xi32>
    %shift_right_arithmetic3A_34 = arith.constant 16 : i32
    %shift_right_arithmetic3A_35 = vector.broadcast %shift_right_arithmetic3A_34 : i32 to vector<1024x128xi32>
    %shift_right_arithmetic3A_36 = arith.shrsi %bitcast_convert_type3A_33, %shift_right_arithmetic3A_35 : vector<1024x128xi32>
    %and3A_37 = arith.constant 1 : i32
    %and3A_38 = vector.broadcast %and3A_37 : i32 to vector<1024x128xi32>
    %and3A_39 = arith.andi %shift_right_arithmetic3A_36, %and3A_38 : vector<1024x128xi32>
    %add3A_40 = arith.constant 32767 : i32
    %add3A_41 = vector.broadcast %add3A_40 : i32 to vector<1024x128xi32>
    %add3A_42 = arith.addi %bitcast_convert_type3A_33, %add3A_41 : vector<1024x128xi32>
    %add3A_43 = arith.addi %add3A_42, %and3A_39 : vector<1024x128xi32>
    %shift_right_arithmetic3A_44 = arith.constant 16 : i32
    %shift_right_arithmetic3A_45 = vector.broadcast %shift_right_arithmetic3A_44 : i32 to vector<1024x128xi32>
    %shift_right_arithmetic3A_46 = arith.shrsi %add3A_43, %shift_right_arithmetic3A_45 : vector<1024x128xi32>
    %and3A_47 = arith.constant 65535 : i32
    %and3A_48 = vector.broadcast %and3A_47 : i32 to vector<1024x128xi32>
    %and3A_49 = arith.andi %shift_right_arithmetic3A_46, %and3A_48 : vector<1024x128xi32>
    %shift_left3A = arith.constant 16 : i32
    %shift_left3A_50 = vector.broadcast %shift_left3A : i32 to vector<1024x128xi32>
    %shift_left3A_51 = arith.shli %and3A_49, %shift_left3A_50 : vector<1024x128xi32>
    %or3A = arith.ori %and3A_30, %shift_left3A_51 : vector<1024x128xi32>
    %swap3A = arith.constant 0 : index
    %swap3A_52 = arith.constant 0 : index
    %swap3A_53 = arith.constant 0 : index
    %swap3A_54 = vector.load %arg5[%swap3A, %swap3A_52, %swap3A_53] : memref<1x1024x128xi32, #tpu.memory_space<vmem>>, vector<1x1024x128xi32>
    %swap3A_55 = vector.shape_cast %swap3A_54 : vector<1x1024x128xi32> to vector<1024x128xi32>
    %swap3A_56 = vector.shape_cast %or3A : vector<1024x128xi32> to vector<1x1024x128xi32>
    tpu.vector_store %arg5[%swap3A, %swap3A_52, %swap3A_53], %swap3A_56 {strides = array<i32>} : memref<1x1024x128xi32, #tpu.memory_space<vmem>>, vector<1x1024x128xi32>,
    %mul3A = arith.mulf %dot_general3A_12, %dot_general3A_12 : vector<192x1024xf32>
    %reduce_sum3A = arith.constant dense<0.000000e+00> : vector<1024xf32>
    %reduce_sum3A_57 = vector.multi_reduction <add>, %mul3A, %reduce_sum3A [0] : vector<192x1024xf32> to vector<1024xf32>
    %broadcast_in_dim3A_58 = vector.shape_cast %reduce_sum3A_57 : vector<1024xf32> to vector<1x1024xf32>
    %sqrt3A = math.sqrt %broadcast_in_dim3A_58 : vector<1x1024xf32>
    %max3A = arith.constant 9.99999996E-13 : f32
    %max3A_59 = vector.broadcast %max3A : f32 to vector<1x1024xf32>
    %max3A_60 = arith.maximumf %sqrt3A, %max3A_59 : vector<1x1024xf32>
    %div3A = vector.broadcast %max3A_60 : vector<1x1024xf32> to vector<192x1024xf32>
    %div3A_61 = arith.divf %dot_general3A_12, %div3A : vector<192x1024xf32>
    %mul3A_62 = arith.mulf %dot_general3A_7, %dot_general3A_7 : vector<192x1024xf32>
    %reduce_sum3A_63 = arith.constant dense<0.000000e+00> : vector<1024xf32>
    %reduce_sum3A_64 = vector.multi_reduction <add>, %mul3A_62, %reduce_sum3A_63 [0] : vector<192x1024xf32> to vector<1024xf32>
    %broadcast_in_dim3A_65 = vector.shape_cast %reduce_sum3A_64 : vector<1024xf32> to vector<1x1024xf32>
    %sqrt3A_66 = math.sqrt %broadcast_in_dim3A_65 : vector<1x1024xf32>
    %max3A_67 = arith.constant 9.99999996E-13 : f32
    %max3A_68 = vector.broadcast %max3A_67 : f32 to vector<1x1024xf32>
    %max3A_69 = arith.maximumf %sqrt3A_66, %max3A_68 : vector<1x1024xf32>
    %div3A_70 = vector.broadcast %max3A_69 : vector<1x1024xf32> to vector<192x1024xf32>
    %div3A_71 = arith.divf %dot_general3A_7, %div3A_70 : vector<192x1024xf32>
    %dot_general3A_72 = arith.constant dense<0.000000e+00> : vector<1024x1024xf32>
    %dot_general3A_73 = tpu.matmul %div3A_61, %div3A_71, %dot_general3A_72 {dimension_numbers = #tpu.dot_dimension_numbers<[0], [0], [1], [1], [0, 1, 1, 1], [], []>, transpose_lhs_hint = false} : vector<192x1024xf32>, vector<192x1024xf32>, vector<1024x1024xf32> -> vector<1024x1024xf32>
    %max3A_74 = arith.constant 0.000000e+00 : f32
    %max3A_75 = vector.broadcast %max3A_74 : f32 to vector<1024x1024xf32>
    %max3A_76 = arith.maximumf %dot_general3A_73, %max3A_75 : vector<1024x1024xf32>
    %iota3A = tpu.iota {dimensions = array<i32: 1>} : vector<1024x1024xi32>
    %argmax3A = tpu.reduce_index %max3A_76 {axis = 1 : i32, kind = #tpu.reduction_kind<arg_max>} : vector<1024x1024xf32> -> vector<1024xi32>
    %broadcast_in_dim3A_77 = vector.shape_cast %argmax3A : vector<1024xi32> to vector<1024x1xi32>
    %eq3A = vector.broadcast %broadcast_in_dim3A_77 : vector<1024x1xi32> to vector<1024x1024xi32>
    %eq3A_78 = arith.cmpi eq, %iota3A, %eq3A : vector<1024x1024xi32>
    %jit3A = arith.constant -1.000000e+00 : f32
    %broadcast_in_dim3A_79 = vector.broadcast %jit3A : f32 to vector<1024x1024xf32>
    %select_n3A = arith.select %eq3A_78, %broadcast_in_dim3A_79, %max3A_76 : vector<1024x1024xi1>, vector<1024x1024xf32>
    %mul3A_80 = arith.constant 1024 : i32
    %mul3A_81 = arith.muli %arg0, %mul3A_80 : i32
    %add3A_82 = vector.broadcast %mul3A_81 : i32 to vector<1024x1xi32>
    %add3A_83 = arith.addi %broadcast_in_dim3A_77, %add3A_82 : vector<1024x1xi32>
    %argmax3A_84 = tpu.reduce_index %select_n3A {axis = 1 : i32, kind = #tpu.reduction_kind<arg_max>} : vector<1024x1024xf32> -> vector<1024xi32>
    %broadcast_in_dim3A_85 = vector.shape_cast %argmax3A_84 : vector<1024xi32> to vector<1024x1xi32>
    %eq3A_86 = vector.broadcast %broadcast_in_dim3A_85 : vector<1024x1xi32> to vector<1024x1024xi32>
    %eq3A_87 = arith.cmpi eq, %iota3A, %eq3A_86 : vector<1024x1024xi32>
    %jit3A_88 = arith.constant -1.000000e+00 : f32
    %broadcast_in_dim3A_89 = vector.broadcast %jit3A_88 : f32 to vector<1024x1024xf32>
    %select_n3A_90 = arith.select %eq3A_87, %broadcast_in_dim3A_89, %select_n3A : vector<1024x1024xi1>, vector<1024x1024xf32>
    %mul3A_91 = arith.constant 1024 : i32
    %mul3A_92 = arith.muli %arg0, %mul3A_91 : i32
    %add3A_93 = vector.broadcast %mul3A_92 : i32 to vector<1024x1xi32>
    %add3A_94 = arith.addi %broadcast_in_dim3A_85, %add3A_93 : vector<1024x1xi32>
    %argmax3A_95 = tpu.reduce_index %select_n3A_90 {axis = 1 : i32, kind = #tpu.reduction_kind<arg_max>} : vector<1024x1024xf32> -> vector<1024xi32>
    %broadcast_in_dim3A_96 = vector.shape_cast %argmax3A_95 : vector<1024xi32> to vector<1024x1xi32>
    %eq3A_97 = vector.broadcast %broadcast_in_dim3A_96 : vector<1024x1xi32> to vector<1024x1024xi32>
    %eq3A_98 = arith.cmpi eq, %iota3A, %eq3A_97 : vector<1024x1024xi32>
    %jit3A_99 = arith.constant -1.000000e+00 : f32
    %broadcast_in_dim3A_100 = vector.broadcast %jit3A_99 : f32 to vector<1024x1024xf32>
    %select_n3A_101 = arith.select %eq3A_98, %broadcast_in_dim3A_100, %select_n3A_90 : vector<1024x1024xi1>, vector<1024x1024xf32>
    %mul3A_102 = arith.constant 1024 : i32
    %mul3A_103 = arith.muli %arg0, %mul3A_102 : i32
    %add3A_104 = vector.broadcast %mul3A_103 : i32 to vector<1024x1xi32>
    %add3A_105 = arith.addi %broadcast_in_dim3A_96, %add3A_104 : vector<1024x1xi32>
    %argmax3A_106 = tpu.reduce_index %select_n3A_101 {axis = 1 : i32, kind = #tpu.reduction_kind<arg_max>} : vector<1024x1024xf32> -> vector<1024xi32>
    %broadcast_in_dim3A_107 = vector.shape_cast %argmax3A_106 : vector<1024xi32> to vector<1024x1xi32>
    %eq3A_108 = vector.broadcast %broadcast_in_dim3A_107 : vector<1024x1xi32> to vector<1024x1024xi32>
    %eq3A_109 = arith.cmpi eq, %iota3A, %eq3A_108 : vector<1024x1024xi32>
    %jit3A_110 = arith.constant -1.000000e+00 : f32
    %broadcast_in_dim3A_111 = vector.broadcast %jit3A_110 : f32 to vector<1024x1024xf32>
    %select_n3A_112 = arith.select %eq3A_109, %broadcast_in_dim3A_111, %select_n3A_101 : vector<1024x1024xi1>, vector<1024x1024xf32>
    %mul3A_113 = arith.constant 1024 : i32
    %mul3A_114 = arith.muli %arg0, %mul3A_113 : i32
    %add3A_115 = vector.broadcast %mul3A_114 : i32 to vector<1024x1xi32>
    %add3A_116 = arith.addi %broadcast_in_dim3A_107, %add3A_115 : vector<1024x1xi32>
    %argmax3A_117 = tpu.reduce_index %select_n3A_112 {axis = 1 : i32, kind = #tpu.reduction_kind<arg_max>} : vector<1024x1024xf32> -> vector<1024xi32>
    %broadcast_in_dim3A_118 = vector.shape_cast %argmax3A_117 : vector<1024xi32> to vector<1024x1xi32>
    %eq3A_119 = vector.broadcast %broadcast_in_dim3A_118 : vector<1024x1xi32> to vector<1024x1024xi32>
    %eq3A_120 = arith.cmpi eq, %iota3A, %eq3A_119 : vector<1024x1024xi32>
    %jit3A_121 = arith.constant -1.000000e+00 : f32
    %broadcast_in_dim3A_122 = vector.broadcast %jit3A_121 : f32 to vector<1024x1024xf32>
    %select_n3A_123 = arith.select %eq3A_120, %broadcast_in_dim3A_122, %select_n3A_112 : vector<1024x1024xi1>, vector<1024x1024xf32>
    %mul3A_124 = arith.constant 1024 : i32
    %mul3A_125 = arith.muli %arg0, %mul3A_124 : i32
    %add3A_126 = vector.broadcast %mul3A_125 : i32 to vector<1024x1xi32>
    %add3A_127 = arith.addi %broadcast_in_dim3A_118, %add3A_126 : vector<1024x1xi32>
    %argmax3A_128 = tpu.reduce_index %select_n3A_123 {axis = 1 : i32, kind = #tpu.reduction_kind<arg_max>} : vector<1024x1024xf32> -> vector<1024xi32>
    %broadcast_in_dim3A_129 = vector.shape_cast %argmax3A_128 : vector<1024xi32> to vector<1024x1xi32>
    %eq3A_130 = vector.broadcast %broadcast_in_dim3A_129 : vector<1024x1xi32> to vector<1024x1024xi32>
    %eq3A_131 = arith.cmpi eq, %iota3A, %eq3A_130 : vector<1024x1024xi32>
    %jit3A_132 = arith.constant -1.000000e+00 : f32
    %broadcast_in_dim3A_133 = vector.broadcast %jit3A_132 : f32 to vector<1024x1024xf32>
    %select_n3A_134 = arith.select %eq3A_131, %broadcast_in_dim3A_133, %select_n3A_123 : vector<1024x1024xi1>, vector<1024x1024xf32>
    %mul3A_135 = arith.constant 1024 : i32
    %mul3A_136 = arith.muli %arg0, %mul3A_135 : i32
    %add3A_137 = vector.broadcast %mul3A_136 : i32 to vector<1024x1xi32>
    %add3A_138 = arith.addi %broadcast_in_dim3A_129, %add3A_137 : vector<1024x1xi32>
    %argmax3A_139 = tpu.reduce_index %select_n3A_134 {axis = 1 : i32, kind = #tpu.reduction_kind<arg_max>} : vector<1024x1024xf32> -> vector<1024xi32>
    %broadcast_in_dim3A_140 = vector.shape_cast %argmax3A_139 : vector<1024xi32> to vector<1024x1xi32>
    %eq3A_141 = vector.broadcast %broadcast_in_dim3A_140 : vector<1024x1xi32> to vector<1024x1024xi32>
    %eq3A_142 = arith.cmpi eq, %iota3A, %eq3A_141 : vector<1024x1024xi32>
    %jit3A_143 = arith.constant -1.000000e+00 : f32
    %broadcast_in_dim3A_144 = vector.broadcast %jit3A_143 : f32 to vector<1024x1024xf32>
    %select_n3A_145 = arith.select %eq3A_142, %broadcast_in_dim3A_144, %select_n3A_134 : vector<1024x1024xi1>, vector<1024x1024xf32>
    %mul3A_146 = arith.constant 1024 : i32
    %mul3A_147 = arith.muli %arg0, %mul3A_146 : i32
    %add3A_148 = vector.broadcast %mul3A_147 : i32 to vector<1024x1xi32>
    %add3A_149 = arith.addi %broadcast_in_dim3A_140, %add3A_148 : vector<1024x1xi32>
    %argmax3A_150 = tpu.reduce_index %select_n3A_145 {axis = 1 : i32, kind = #tpu.reduction_kind<arg_max>} : vector<1024x1024xf32> -> vector<1024xi32>
    %broadcast_in_dim3A_151 = vector.shape_cast %argmax3A_150 : vector<1024xi32> to vector<1024x1xi32>
    %mul3A_152 = arith.constant 1024 : i32
    %mul3A_153 = arith.muli %arg0, %mul3A_152 : i32
    %add3A_154 = vector.broadcast %mul3A_153 : i32 to vector<1024x1xi32>
    %add3A_155 = arith.addi %broadcast_in_dim3A_151, %add3A_154 : vector<1024x1xi32>
    %concatenate3A_156 = tpu.concatenate %add3A_83, %add3A_94, %add3A_105, %add3A_116, %add3A_127, %add3A_138, %add3A_149, %add3A_155 in 1 : vector<1024x1xi32>, vector<1024x1xi32>, vector<1024x1xi32>, vector<1024x1xi32>, vector<1024x1xi32>, vector<1024x1xi32>, vector<1024x1xi32>, vector<1024x1xi32> -> vector<1024x8xi32>
    %transpose3A = tpu.transpose %concatenate3A_156, [1, 0] : vector<1024x8xi32> -> vector<8x1024xi32>
    %swap3A_157 = arith.constant 0 : index
    %swap3A_158 = arith.constant 0 : index
    %swap3A_159 = arith.constant 0 : index
    %swap3A_160 = vector.load %arg6[%swap3A_157, %swap3A_158, %swap3A_159] : memref<1x8x1024xi32, #tpu.memory_space<vmem>>, vector<1x8x1024xi32>
    %swap3A_161 = vector.shape_cast %swap3A_160 : vector<1x8x1024xi32> to vector<8x1024xi32>
    %swap3A_162 = vector.shape_cast %transpose3A : vector<8x1024xi32> to vector<1x8x1024xi32>
    tpu.vector_store %arg6[%swap3A_157, %swap3A_158, %swap3A_159], %swap3A_162 {strides = array<i32>} : memref<1x8x1024xi32, #tpu.memory_space<vmem>>, vector<1x8x1024xi32>,
    return
  }
  func.func @transform_0(%arg0: i32) -> (i32, i32, i32) {
    %c0_i32 = arith.constant 0 : i32
    %c0_i32_0 = arith.constant 0 : i32
    %c0_i32_1 = arith.constant 0 : i32
    return %arg0, %c0_i32, %c0_i32_0 : i32, i32, i32
  }
  func.func @transform_1(%arg0: i32) -> (i32, i32) {
    %c0_i32 = arith.constant 0 : i32
    %c0_i32_0 = arith.constant 0 : i32
    %c0_i32_1 = arith.constant 0 : i32
    return %c0_i32, %c0_i32_0 : i32, i32
  }
  func.func @transform_2(%arg0: i32) -> (i32, i32) {
    %c0_i32 = arith.constant 0 : i32
    %c0_i32_0 = arith.constant 0 : i32
    %c0_i32_1 = arith.constant 0 : i32
    return %c0_i32, %c0_i32_0 : i32, i32
  }
  func.func @transform_3(%arg0: i32) -> (i32, i32) {
    %c0_i32 = arith.constant 0 : i32
    %c0_i32_0 = arith.constant 0 : i32
    %c0_i32_1 = arith.constant 0 : i32
    return %c0_i32, %c0_i32_0 : i32, i32
  }
  func.func @transform_4(%arg0: i32) -> (i32, i32, i32) {
    %c0_i32 = arith.constant 0 : i32
    %c0_i32_0 = arith.constant 0 : i32
    %c0_i32_1 = arith.constant 0 : i32
    return %arg0, %c0_i32, %c0_i32_0 : i32, i32, i32
  }
  func.func @transform_5(%arg0: i32) -> (i32, i32, i32) {
    %c0_i32 = arith.constant 0 : i32
    %c0_i32_0 = arith.constant 0 : i32
    %c0_i32_1 = arith.constant 0 : i32
    return %arg0, %c0_i32, %c0_i32_0 : i32, i32, i32
  }
}

module attributes {stable_mosaic.version = 14 : i64} {
  func.func @_conv_body(%arg0: i32, %arg1: memref<1x8x1024x128xi32, #tpu.memory_space<vmem>>, %arg2: memref<8x128x192xf32, #tpu.memory_space<vmem>>, %arg3: memref<8x128x192xf32, #tpu.memory_space<vmem>>, %arg4: memref<1x192xf32, #tpu.memory_space<vmem>>, %arg5: memref<1024x1024xf32, #tpu.memory_space<vmem>>, %arg6: memref<1x192x1024xf32, #tpu.memory_space<vmem>>) attributes {dimension_semantics = [#tpu.dimension_semantics<arbitrary>], iteration_bounds = array<i64: 8>, scalar_prefetch = 0 : i64, scratch_operands = 0 : i64, tpu.core_type = #tpu.core_type<tc>, window_params = [{transform_indices = @transform_0, window_bounds = array<i64: 1, 8, 1024, 128>}, {pipeline_mode = #tpu.pipeline_mode<synchronous>, transform_indices = @transform_1, window_bounds = array<i64: 8, 128, 192>}, {pipeline_mode = #tpu.pipeline_mode<synchronous>, transform_indices = @transform_2, window_bounds = array<i64: 8, 128, 192>}, {pipeline_mode = #tpu.pipeline_mode<synchronous>, transform_indices = @transform_3, window_bounds = array<i64: 1, 192>}, {pipeline_mode = #tpu.pipeline_mode<synchronous>, transform_indices = @transform_4, window_bounds = array<i64: 1024, 1024>}, {transform_indices = @transform_5, window_bounds = array<i64: 1, 192, 1024>}]} {
    %broadcast_in_dim3A = arith.constant 0.000000e+00 : f32
    %broadcast_in_dim3A_0 = vector.broadcast %broadcast_in_dim3A : f32 to vector<1024x192xf32>
    %get3A = arith.constant 0 : index
    %get3A_1 = arith.constant 0 : index
    %get3A_2 = arith.constant 0 : index
    %get3A_3 = arith.constant 0 : index
    %get3A_4 = vector.load %arg1[%get3A, %get3A_1, %get3A_2, %get3A_3] : memref<1x8x1024x128xi32, #tpu.memory_space<vmem>>, vector<1x1x1024x128xi32>
    %get3A_5 = vector.shape_cast %get3A_4 : vector<1x1x1024x128xi32> to vector<1024x128xi32>
    %shift_left3A = arith.constant 16 : i32
    %shift_left3A_6 = vector.broadcast %shift_left3A : i32 to vector<1024x128xi32>
    %shift_left3A_7 = arith.shli %get3A_5, %shift_left3A_6 : vector<1024x128xi32>
    %bitcast_convert_type3A = tpu.bitcast %shift_left3A_7 : vector<1024x128xi32> -> vector<1024x128xf32>
    %and3A = arith.constant -65536 : i32
    %and3A_8 = vector.broadcast %and3A : i32 to vector<1024x128xi32>
    %and3A_9 = arith.andi %get3A_5, %and3A_8 : vector<1024x128xi32>
    %bitcast_convert_type3A_10 = tpu.bitcast %and3A_9 : vector<1024x128xi32> -> vector<1024x128xf32>
    %get3A_11 = arith.constant 0 : index
    %get3A_12 = arith.constant 0 : index
    %get3A_13 = arith.constant 0 : index
    %get3A_14 = vector.load %arg2[%get3A_11, %get3A_12, %get3A_13] : memref<8x128x192xf32, #tpu.memory_space<vmem>>, vector<1x128x192xf32>
    %get3A_15 = vector.shape_cast %get3A_14 : vector<1x128x192xf32> to vector<128x192xf32>
    %dot_general3A = arith.constant dense<0.000000e+00> : vector<1024x192xf32>
    %dot_general3A_16 = tpu.matmul %bitcast_convert_type3A, %get3A_15, %dot_general3A {dimension_numbers = #tpu.dot_dimension_numbers<[1], [0], [0], [1], [0, 0, 1, 1], [], []>, transpose_lhs_hint = false} : vector<1024x128xf32>, vector<128x192xf32>, vector<1024x192xf32> -> vector<1024x192xf32>
    %add3A = arith.addf %broadcast_in_dim3A_0, %dot_general3A_16 : vector<1024x192xf32>
    %get3A_17 = arith.constant 0 : index
    %get3A_18 = arith.constant 0 : index
    %get3A_19 = arith.constant 0 : index
    %get3A_20 = vector.load %arg3[%get3A_17, %get3A_18, %get3A_19] : memref<8x128x192xf32, #tpu.memory_space<vmem>>, vector<1x128x192xf32>
    %get3A_21 = vector.shape_cast %get3A_20 : vector<1x128x192xf32> to vector<128x192xf32>
    %dot_general3A_22 = arith.constant dense<0.000000e+00> : vector<1024x192xf32>
    %dot_general3A_23 = tpu.matmul %bitcast_convert_type3A_10, %get3A_21, %dot_general3A_22 {dimension_numbers = #tpu.dot_dimension_numbers<[1], [0], [0], [1], [0, 0, 1, 1], [], []>, transpose_lhs_hint = false} : vector<1024x128xf32>, vector<128x192xf32>, vector<1024x192xf32> -> vector<1024x192xf32>
    %add3A_24 = arith.addf %add3A, %dot_general3A_23 : vector<1024x192xf32>
    %get3A_25 = arith.constant 0 : index
    %get3A_26 = arith.constant 1 : index
    %get3A_27 = arith.constant 0 : index
    %get3A_28 = arith.constant 0 : index
    %get3A_29 = vector.load %arg1[%get3A_25, %get3A_26, %get3A_27, %get3A_28] : memref<1x8x1024x128xi32, #tpu.memory_space<vmem>>, vector<1x1x1024x128xi32>
    %get3A_30 = vector.shape_cast %get3A_29 : vector<1x1x1024x128xi32> to vector<1024x128xi32>
    %shift_left3A_31 = arith.constant 16 : i32
    %shift_left3A_32 = vector.broadcast %shift_left3A_31 : i32 to vector<1024x128xi32>
    %shift_left3A_33 = arith.shli %get3A_30, %shift_left3A_32 : vector<1024x128xi32>
    %bitcast_convert_type3A_34 = tpu.bitcast %shift_left3A_33 : vector<1024x128xi32> -> vector<1024x128xf32>
    %and3A_35 = arith.constant -65536 : i32
    %and3A_36 = vector.broadcast %and3A_35 : i32 to vector<1024x128xi32>
    %and3A_37 = arith.andi %get3A_30, %and3A_36 : vector<1024x128xi32>
    %bitcast_convert_type3A_38 = tpu.bitcast %and3A_37 : vector<1024x128xi32> -> vector<1024x128xf32>
    %get3A_39 = arith.constant 1 : index
    %get3A_40 = arith.constant 0 : index
    %get3A_41 = arith.constant 0 : index
    %get3A_42 = vector.load %arg2[%get3A_39, %get3A_40, %get3A_41] : memref<8x128x192xf32, #tpu.memory_space<vmem>>, vector<1x128x192xf32>
    %get3A_43 = vector.shape_cast %get3A_42 : vector<1x128x192xf32> to vector<128x192xf32>
    %dot_general3A_44 = arith.constant dense<0.000000e+00> : vector<1024x192xf32>
    %dot_general3A_45 = tpu.matmul %bitcast_convert_type3A_34, %get3A_43, %dot_general3A_44 {dimension_numbers = #tpu.dot_dimension_numbers<[1], [0], [0], [1], [0, 0, 1, 1], [], []>, transpose_lhs_hint = false} : vector<1024x128xf32>, vector<128x192xf32>, vector<1024x192xf32> -> vector<1024x192xf32>
    %add3A_46 = arith.addf %add3A_24, %dot_general3A_45 : vector<1024x192xf32>
    %get3A_47 = arith.constant 1 : index
    %get3A_48 = arith.constant 0 : index
    %get3A_49 = arith.constant 0 : index
    %get3A_50 = vector.load %arg3[%get3A_47, %get3A_48, %get3A_49] : memref<8x128x192xf32, #tpu.memory_space<vmem>>, vector<1x128x192xf32>
    %get3A_51 = vector.shape_cast %get3A_50 : vector<1x128x192xf32> to vector<128x192xf32>
    %dot_general3A_52 = arith.constant dense<0.000000e+00> : vector<1024x192xf32>
    %dot_general3A_53 = tpu.matmul %bitcast_convert_type3A_38, %get3A_51, %dot_general3A_52 {dimension_numbers = #tpu.dot_dimension_numbers<[1], [0], [0], [1], [0, 0, 1, 1], [], []>, transpose_lhs_hint = false} : vector<1024x128xf32>, vector<128x192xf32>, vector<1024x192xf32> -> vector<1024x192xf32>
    %add3A_54 = arith.addf %add3A_46, %dot_general3A_53 : vector<1024x192xf32>
    %get3A_55 = arith.constant 0 : index
    %get3A_56 = arith.constant 2 : index
    %get3A_57 = arith.constant 0 : index
    %get3A_58 = arith.constant 0 : index
    %get3A_59 = vector.load %arg1[%get3A_55, %get3A_56, %get3A_57, %get3A_58] : memref<1x8x1024x128xi32, #tpu.memory_space<vmem>>, vector<1x1x1024x128xi32>
    %get3A_60 = vector.shape_cast %get3A_59 : vector<1x1x1024x128xi32> to vector<1024x128xi32>
    %shift_left3A_61 = arith.constant 16 : i32
    %shift_left3A_62 = vector.broadcast %shift_left3A_61 : i32 to vector<1024x128xi32>
    %shift_left3A_63 = arith.shli %get3A_60, %shift_left3A_62 : vector<1024x128xi32>
    %bitcast_convert_type3A_64 = tpu.bitcast %shift_left3A_63 : vector<1024x128xi32> -> vector<1024x128xf32>
    %and3A_65 = arith.constant -65536 : i32
    %and3A_66 = vector.broadcast %and3A_65 : i32 to vector<1024x128xi32>
    %and3A_67 = arith.andi %get3A_60, %and3A_66 : vector<1024x128xi32>
    %bitcast_convert_type3A_68 = tpu.bitcast %and3A_67 : vector<1024x128xi32> -> vector<1024x128xf32>
    %get3A_69 = arith.constant 2 : index
    %get3A_70 = arith.constant 0 : index
    %get3A_71 = arith.constant 0 : index
    %get3A_72 = vector.load %arg2[%get3A_69, %get3A_70, %get3A_71] : memref<8x128x192xf32, #tpu.memory_space<vmem>>, vector<1x128x192xf32>
    %get3A_73 = vector.shape_cast %get3A_72 : vector<1x128x192xf32> to vector<128x192xf32>
    %dot_general3A_74 = arith.constant dense<0.000000e+00> : vector<1024x192xf32>
    %dot_general3A_75 = tpu.matmul %bitcast_convert_type3A_64, %get3A_73, %dot_general3A_74 {dimension_numbers = #tpu.dot_dimension_numbers<[1], [0], [0], [1], [0, 0, 1, 1], [], []>, transpose_lhs_hint = false} : vector<1024x128xf32>, vector<128x192xf32>, vector<1024x192xf32> -> vector<1024x192xf32>
    %add3A_76 = arith.addf %add3A_54, %dot_general3A_75 : vector<1024x192xf32>
    %get3A_77 = arith.constant 2 : index
    %get3A_78 = arith.constant 0 : index
    %get3A_79 = arith.constant 0 : index
    %get3A_80 = vector.load %arg3[%get3A_77, %get3A_78, %get3A_79] : memref<8x128x192xf32, #tpu.memory_space<vmem>>, vector<1x128x192xf32>
    %get3A_81 = vector.shape_cast %get3A_80 : vector<1x128x192xf32> to vector<128x192xf32>
    %dot_general3A_82 = arith.constant dense<0.000000e+00> : vector<1024x192xf32>
    %dot_general3A_83 = tpu.matmul %bitcast_convert_type3A_68, %get3A_81, %dot_general3A_82 {dimension_numbers = #tpu.dot_dimension_numbers<[1], [0], [0], [1], [0, 0, 1, 1], [], []>, transpose_lhs_hint = false} : vector<1024x128xf32>, vector<128x192xf32>, vector<1024x192xf32> -> vector<1024x192xf32>
    %add3A_84 = arith.addf %add3A_76, %dot_general3A_83 : vector<1024x192xf32>
    %get3A_85 = arith.constant 0 : index
    %get3A_86 = arith.constant 3 : index
    %get3A_87 = arith.constant 0 : index
    %get3A_88 = arith.constant 0 : index
    %get3A_89 = vector.load %arg1[%get3A_85, %get3A_86, %get3A_87, %get3A_88] : memref<1x8x1024x128xi32, #tpu.memory_space<vmem>>, vector<1x1x1024x128xi32>
    %get3A_90 = vector.shape_cast %get3A_89 : vector<1x1x1024x128xi32> to vector<1024x128xi32>
    %shift_left3A_91 = arith.constant 16 : i32
    %shift_left3A_92 = vector.broadcast %shift_left3A_91 : i32 to vector<1024x128xi32>
    %shift_left3A_93 = arith.shli %get3A_90, %shift_left3A_92 : vector<1024x128xi32>
    %bitcast_convert_type3A_94 = tpu.bitcast %shift_left3A_93 : vector<1024x128xi32> -> vector<1024x128xf32>
    %and3A_95 = arith.constant -65536 : i32
    %and3A_96 = vector.broadcast %and3A_95 : i32 to vector<1024x128xi32>
    %and3A_97 = arith.andi %get3A_90, %and3A_96 : vector<1024x128xi32>
    %bitcast_convert_type3A_98 = tpu.bitcast %and3A_97 : vector<1024x128xi32> -> vector<1024x128xf32>
    %get3A_99 = arith.constant 3 : index
    %get3A_100 = arith.constant 0 : index
    %get3A_101 = arith.constant 0 : index
    %get3A_102 = vector.load %arg2[%get3A_99, %get3A_100, %get3A_101] : memref<8x128x192xf32, #tpu.memory_space<vmem>>, vector<1x128x192xf32>
    %get3A_103 = vector.shape_cast %get3A_102 : vector<1x128x192xf32> to vector<128x192xf32>
    %dot_general3A_104 = arith.constant dense<0.000000e+00> : vector<1024x192xf32>
    %dot_general3A_105 = tpu.matmul %bitcast_convert_type3A_94, %get3A_103, %dot_general3A_104 {dimension_numbers = #tpu.dot_dimension_numbers<[1], [0], [0], [1], [0, 0, 1, 1], [], []>, transpose_lhs_hint = false} : vector<1024x128xf32>, vector<128x192xf32>, vector<1024x192xf32> -> vector<1024x192xf32>
    %add3A_106 = arith.addf %add3A_84, %dot_general3A_105 : vector<1024x192xf32>
    %get3A_107 = arith.constant 3 : index
    %get3A_108 = arith.constant 0 : index
    %get3A_109 = arith.constant 0 : index
    %get3A_110 = vector.load %arg3[%get3A_107, %get3A_108, %get3A_109] : memref<8x128x192xf32, #tpu.memory_space<vmem>>, vector<1x128x192xf32>
    %get3A_111 = vector.shape_cast %get3A_110 : vector<1x128x192xf32> to vector<128x192xf32>
    %dot_general3A_112 = arith.constant dense<0.000000e+00> : vector<1024x192xf32>
    %dot_general3A_113 = tpu.matmul %bitcast_convert_type3A_98, %get3A_111, %dot_general3A_112 {dimension_numbers = #tpu.dot_dimension_numbers<[1], [0], [0], [1], [0, 0, 1, 1], [], []>, transpose_lhs_hint = false} : vector<1024x128xf32>, vector<128x192xf32>, vector<1024x192xf32> -> vector<1024x192xf32>
    %add3A_114 = arith.addf %add3A_106, %dot_general3A_113 : vector<1024x192xf32>
    %get3A_115 = arith.constant 0 : index
    %get3A_116 = arith.constant 4 : index
    %get3A_117 = arith.constant 0 : index
    %get3A_118 = arith.constant 0 : index
    %get3A_119 = vector.load %arg1[%get3A_115, %get3A_116, %get3A_117, %get3A_118] : memref<1x8x1024x128xi32, #tpu.memory_space<vmem>>, vector<1x1x1024x128xi32>
    %get3A_120 = vector.shape_cast %get3A_119 : vector<1x1x1024x128xi32> to vector<1024x128xi32>
    %shift_left3A_121 = arith.constant 16 : i32
    %shift_left3A_122 = vector.broadcast %shift_left3A_121 : i32 to vector<1024x128xi32>
    %shift_left3A_123 = arith.shli %get3A_120, %shift_left3A_122 : vector<1024x128xi32>
    %bitcast_convert_type3A_124 = tpu.bitcast %shift_left3A_123 : vector<1024x128xi32> -> vector<1024x128xf32>
    %and3A_125 = arith.constant -65536 : i32
    %and3A_126 = vector.broadcast %and3A_125 : i32 to vector<1024x128xi32>
    %and3A_127 = arith.andi %get3A_120, %and3A_126 : vector<1024x128xi32>
    %bitcast_convert_type3A_128 = tpu.bitcast %and3A_127 : vector<1024x128xi32> -> vector<1024x128xf32>
    %get3A_129 = arith.constant 4 : index
    %get3A_130 = arith.constant 0 : index
    %get3A_131 = arith.constant 0 : index
    %get3A_132 = vector.load %arg2[%get3A_129, %get3A_130, %get3A_131] : memref<8x128x192xf32, #tpu.memory_space<vmem>>, vector<1x128x192xf32>
    %get3A_133 = vector.shape_cast %get3A_132 : vector<1x128x192xf32> to vector<128x192xf32>
    %dot_general3A_134 = arith.constant dense<0.000000e+00> : vector<1024x192xf32>
    %dot_general3A_135 = tpu.matmul %bitcast_convert_type3A_124, %get3A_133, %dot_general3A_134 {dimension_numbers = #tpu.dot_dimension_numbers<[1], [0], [0], [1], [0, 0, 1, 1], [], []>, transpose_lhs_hint = false} : vector<1024x128xf32>, vector<128x192xf32>, vector<1024x192xf32> -> vector<1024x192xf32>
    %add3A_136 = arith.addf %add3A_114, %dot_general3A_135 : vector<1024x192xf32>
    %get3A_137 = arith.constant 4 : index
    %get3A_138 = arith.constant 0 : index
    %get3A_139 = arith.constant 0 : index
    %get3A_140 = vector.load %arg3[%get3A_137, %get3A_138, %get3A_139] : memref<8x128x192xf32, #tpu.memory_space<vmem>>, vector<1x128x192xf32>
    %get3A_141 = vector.shape_cast %get3A_140 : vector<1x128x192xf32> to vector<128x192xf32>
    %dot_general3A_142 = arith.constant dense<0.000000e+00> : vector<1024x192xf32>
    %dot_general3A_143 = tpu.matmul %bitcast_convert_type3A_128, %get3A_141, %dot_general3A_142 {dimension_numbers = #tpu.dot_dimension_numbers<[1], [0], [0], [1], [0, 0, 1, 1], [], []>, transpose_lhs_hint = false} : vector<1024x128xf32>, vector<128x192xf32>, vector<1024x192xf32> -> vector<1024x192xf32>
    %add3A_144 = arith.addf %add3A_136, %dot_general3A_143 : vector<1024x192xf32>
    %get3A_145 = arith.constant 0 : index
    %get3A_146 = arith.constant 5 : index
    %get3A_147 = arith.constant 0 : index
    %get3A_148 = arith.constant 0 : index
    %get3A_149 = vector.load %arg1[%get3A_145, %get3A_146, %get3A_147, %get3A_148] : memref<1x8x1024x128xi32, #tpu.memory_space<vmem>>, vector<1x1x1024x128xi32>
    %get3A_150 = vector.shape_cast %get3A_149 : vector<1x1x1024x128xi32> to vector<1024x128xi32>
    %shift_left3A_151 = arith.constant 16 : i32
    %shift_left3A_152 = vector.broadcast %shift_left3A_151 : i32 to vector<1024x128xi32>
    %shift_left3A_153 = arith.shli %get3A_150, %shift_left3A_152 : vector<1024x128xi32>
    %bitcast_convert_type3A_154 = tpu.bitcast %shift_left3A_153 : vector<1024x128xi32> -> vector<1024x128xf32>
    %and3A_155 = arith.constant -65536 : i32
    %and3A_156 = vector.broadcast %and3A_155 : i32 to vector<1024x128xi32>
    %and3A_157 = arith.andi %get3A_150, %and3A_156 : vector<1024x128xi32>
    %bitcast_convert_type3A_158 = tpu.bitcast %and3A_157 : vector<1024x128xi32> -> vector<1024x128xf32>
    %get3A_159 = arith.constant 5 : index
    %get3A_160 = arith.constant 0 : index
    %get3A_161 = arith.constant 0 : index
    %get3A_162 = vector.load %arg2[%get3A_159, %get3A_160, %get3A_161] : memref<8x128x192xf32, #tpu.memory_space<vmem>>, vector<1x128x192xf32>
    %get3A_163 = vector.shape_cast %get3A_162 : vector<1x128x192xf32> to vector<128x192xf32>
    %dot_general3A_164 = arith.constant dense<0.000000e+00> : vector<1024x192xf32>
    %dot_general3A_165 = tpu.matmul %bitcast_convert_type3A_154, %get3A_163, %dot_general3A_164 {dimension_numbers = #tpu.dot_dimension_numbers<[1], [0], [0], [1], [0, 0, 1, 1], [], []>, transpose_lhs_hint = false} : vector<1024x128xf32>, vector<128x192xf32>, vector<1024x192xf32> -> vector<1024x192xf32>
    %add3A_166 = arith.addf %add3A_144, %dot_general3A_165 : vector<1024x192xf32>
    %get3A_167 = arith.constant 5 : index
    %get3A_168 = arith.constant 0 : index
    %get3A_169 = arith.constant 0 : index
    %get3A_170 = vector.load %arg3[%get3A_167, %get3A_168, %get3A_169] : memref<8x128x192xf32, #tpu.memory_space<vmem>>, vector<1x128x192xf32>
    %get3A_171 = vector.shape_cast %get3A_170 : vector<1x128x192xf32> to vector<128x192xf32>
    %dot_general3A_172 = arith.constant dense<0.000000e+00> : vector<1024x192xf32>
    %dot_general3A_173 = tpu.matmul %bitcast_convert_type3A_158, %get3A_171, %dot_general3A_172 {dimension_numbers = #tpu.dot_dimension_numbers<[1], [0], [0], [1], [0, 0, 1, 1], [], []>, transpose_lhs_hint = false} : vector<1024x128xf32>, vector<128x192xf32>, vector<1024x192xf32> -> vector<1024x192xf32>
    %add3A_174 = arith.addf %add3A_166, %dot_general3A_173 : vector<1024x192xf32>
    %get3A_175 = arith.constant 0 : index
    %get3A_176 = arith.constant 6 : index
    %get3A_177 = arith.constant 0 : index
    %get3A_178 = arith.constant 0 : index
    %get3A_179 = vector.load %arg1[%get3A_175, %get3A_176, %get3A_177, %get3A_178] : memref<1x8x1024x128xi32, #tpu.memory_space<vmem>>, vector<1x1x1024x128xi32>
    %get3A_180 = vector.shape_cast %get3A_179 : vector<1x1x1024x128xi32> to vector<1024x128xi32>
    %shift_left3A_181 = arith.constant 16 : i32
    %shift_left3A_182 = vector.broadcast %shift_left3A_181 : i32 to vector<1024x128xi32>
    %shift_left3A_183 = arith.shli %get3A_180, %shift_left3A_182 : vector<1024x128xi32>
    %bitcast_convert_type3A_184 = tpu.bitcast %shift_left3A_183 : vector<1024x128xi32> -> vector<1024x128xf32>
    %and3A_185 = arith.constant -65536 : i32
    %and3A_186 = vector.broadcast %and3A_185 : i32 to vector<1024x128xi32>
    %and3A_187 = arith.andi %get3A_180, %and3A_186 : vector<1024x128xi32>
    %bitcast_convert_type3A_188 = tpu.bitcast %and3A_187 : vector<1024x128xi32> -> vector<1024x128xf32>
    %get3A_189 = arith.constant 6 : index
    %get3A_190 = arith.constant 0 : index
    %get3A_191 = arith.constant 0 : index
    %get3A_192 = vector.load %arg2[%get3A_189, %get3A_190, %get3A_191] : memref<8x128x192xf32, #tpu.memory_space<vmem>>, vector<1x128x192xf32>
    %get3A_193 = vector.shape_cast %get3A_192 : vector<1x128x192xf32> to vector<128x192xf32>
    %dot_general3A_194 = arith.constant dense<0.000000e+00> : vector<1024x192xf32>
    %dot_general3A_195 = tpu.matmul %bitcast_convert_type3A_184, %get3A_193, %dot_general3A_194 {dimension_numbers = #tpu.dot_dimension_numbers<[1], [0], [0], [1], [0, 0, 1, 1], [], []>, transpose_lhs_hint = false} : vector<1024x128xf32>, vector<128x192xf32>, vector<1024x192xf32> -> vector<1024x192xf32>
    %add3A_196 = arith.addf %add3A_174, %dot_general3A_195 : vector<1024x192xf32>
    %get3A_197 = arith.constant 6 : index
    %get3A_198 = arith.constant 0 : index
    %get3A_199 = arith.constant 0 : index
    %get3A_200 = vector.load %arg3[%get3A_197, %get3A_198, %get3A_199] : memref<8x128x192xf32, #tpu.memory_space<vmem>>, vector<1x128x192xf32>
    %get3A_201 = vector.shape_cast %get3A_200 : vector<1x128x192xf32> to vector<128x192xf32>
    %dot_general3A_202 = arith.constant dense<0.000000e+00> : vector<1024x192xf32>
    %dot_general3A_203 = tpu.matmul %bitcast_convert_type3A_188, %get3A_201, %dot_general3A_202 {dimension_numbers = #tpu.dot_dimension_numbers<[1], [0], [0], [1], [0, 0, 1, 1], [], []>, transpose_lhs_hint = false} : vector<1024x128xf32>, vector<128x192xf32>, vector<1024x192xf32> -> vector<1024x192xf32>
    %add3A_204 = arith.addf %add3A_196, %dot_general3A_203 : vector<1024x192xf32>
    %get3A_205 = arith.constant 0 : index
    %get3A_206 = arith.constant 7 : index
    %get3A_207 = arith.constant 0 : index
    %get3A_208 = arith.constant 0 : index
    %get3A_209 = vector.load %arg1[%get3A_205, %get3A_206, %get3A_207, %get3A_208] : memref<1x8x1024x128xi32, #tpu.memory_space<vmem>>, vector<1x1x1024x128xi32>
    %get3A_210 = vector.shape_cast %get3A_209 : vector<1x1x1024x128xi32> to vector<1024x128xi32>
    %shift_left3A_211 = arith.constant 16 : i32
    %shift_left3A_212 = vector.broadcast %shift_left3A_211 : i32 to vector<1024x128xi32>
    %shift_left3A_213 = arith.shli %get3A_210, %shift_left3A_212 : vector<1024x128xi32>
    %bitcast_convert_type3A_214 = tpu.bitcast %shift_left3A_213 : vector<1024x128xi32> -> vector<1024x128xf32>
    %and3A_215 = arith.constant -65536 : i32
    %and3A_216 = vector.broadcast %and3A_215 : i32 to vector<1024x128xi32>
    %and3A_217 = arith.andi %get3A_210, %and3A_216 : vector<1024x128xi32>
    %bitcast_convert_type3A_218 = tpu.bitcast %and3A_217 : vector<1024x128xi32> -> vector<1024x128xf32>
    %get3A_219 = arith.constant 7 : index
    %get3A_220 = arith.constant 0 : index
    %get3A_221 = arith.constant 0 : index
    %get3A_222 = vector.load %arg2[%get3A_219, %get3A_220, %get3A_221] : memref<8x128x192xf32, #tpu.memory_space<vmem>>, vector<1x128x192xf32>
    %get3A_223 = vector.shape_cast %get3A_222 : vector<1x128x192xf32> to vector<128x192xf32>
    %dot_general3A_224 = arith.constant dense<0.000000e+00> : vector<1024x192xf32>
    %dot_general3A_225 = tpu.matmul %bitcast_convert_type3A_214, %get3A_223, %dot_general3A_224 {dimension_numbers = #tpu.dot_dimension_numbers<[1], [0], [0], [1], [0, 0, 1, 1], [], []>, transpose_lhs_hint = false} : vector<1024x128xf32>, vector<128x192xf32>, vector<1024x192xf32> -> vector<1024x192xf32>
    %add3A_226 = arith.addf %add3A_204, %dot_general3A_225 : vector<1024x192xf32>
    %get3A_227 = arith.constant 7 : index
    %get3A_228 = arith.constant 0 : index
    %get3A_229 = arith.constant 0 : index
    %get3A_230 = vector.load %arg3[%get3A_227, %get3A_228, %get3A_229] : memref<8x128x192xf32, #tpu.memory_space<vmem>>, vector<1x128x192xf32>
    %get3A_231 = vector.shape_cast %get3A_230 : vector<1x128x192xf32> to vector<128x192xf32>
    %dot_general3A_232 = arith.constant dense<0.000000e+00> : vector<1024x192xf32>
    %dot_general3A_233 = tpu.matmul %bitcast_convert_type3A_218, %get3A_231, %dot_general3A_232 {dimension_numbers = #tpu.dot_dimension_numbers<[1], [0], [0], [1], [0, 0, 1, 1], [], []>, transpose_lhs_hint = false} : vector<1024x128xf32>, vector<128x192xf32>, vector<1024x192xf32> -> vector<1024x192xf32>
    %add3A_234 = arith.addf %add3A_226, %dot_general3A_233 : vector<1024x192xf32>
    %get3A_235 = arith.constant 0 : index
    %get3A_236 = arith.constant 0 : index
    %get3A_237 = vector.load %arg4[%get3A_235, %get3A_236] : memref<1x192xf32, #tpu.memory_space<vmem>>, vector<1x192xf32>
    %add3A_238 = vector.broadcast %get3A_237 : vector<1x192xf32> to vector<1024x192xf32>
    %add3A_239 = arith.addf %add3A_234, %add3A_238 : vector<1024x192xf32>
    %get3A_240 = arith.constant 0 : index
    %get3A_241 = arith.constant 0 : index
    %get3A_242 = vector.load %arg5[%get3A_240, %get3A_241] : memref<1024x1024xf32, #tpu.memory_space<vmem>>, vector<1024x1024xf32>
    %dot_general3A_243 = arith.constant dense<0.000000e+00> : vector<192x1024xf32>
    %dot_general3A_244 = tpu.matmul %add3A_239, %get3A_242, %dot_general3A_243 {dimension_numbers = #tpu.dot_dimension_numbers<[0], [1], [1], [0], [0, 1, 1, 0], [], []>, transpose_lhs_hint = false} : vector<1024x192xf32>, vector<1024x1024xf32>, vector<192x1024xf32> -> vector<192x1024xf32>
    %swap3A = arith.constant 0 : index
    %swap3A_245 = arith.constant 0 : index
    %swap3A_246 = arith.constant 0 : index
    %swap3A_247 = vector.load %arg6[%swap3A, %swap3A_245, %swap3A_246] : memref<1x192x1024xf32, #tpu.memory_space<vmem>>, vector<1x192x1024xf32>
    %swap3A_248 = vector.shape_cast %swap3A_247 : vector<1x192x1024xf32> to vector<192x1024xf32>
    %swap3A_249 = vector.shape_cast %dot_general3A_244 : vector<192x1024xf32> to vector<1x192x1024xf32>
    tpu.vector_store %arg6[%swap3A, %swap3A_245, %swap3A_246], %swap3A_249 {strides = array<i32>} : memref<1x192x1024xf32, #tpu.memory_space<vmem>>, vector<1x192x1024xf32>,
    return
  }
  func.func @transform_0(%arg0: i32) -> (i32, i32, i32, i32) {
    %c0_i32 = arith.constant 0 : i32
    %c0_i32_0 = arith.constant 0 : i32
    %c0_i32_1 = arith.constant 0 : i32
    %c0_i32_2 = arith.constant 0 : i32
    return %arg0, %c0_i32, %c0_i32_0, %c0_i32_1 : i32, i32, i32, i32
  }
  func.func @transform_1(%arg0: i32) -> (i32, i32, i32) {
    %c0_i32 = arith.constant 0 : i32
    %c0_i32_0 = arith.constant 0 : i32
    %c0_i32_1 = arith.constant 0 : i32
    %c0_i32_2 = arith.constant 0 : i32
    return %c0_i32, %c0_i32_0, %c0_i32_1 : i32, i32, i32
  }
  func.func @transform_2(%arg0: i32) -> (i32, i32, i32) {
    %c0_i32 = arith.constant 0 : i32
    %c0_i32_0 = arith.constant 0 : i32
    %c0_i32_1 = arith.constant 0 : i32
    %c0_i32_2 = arith.constant 0 : i32
    return %c0_i32, %c0_i32_0, %c0_i32_1 : i32, i32, i32
  }
  func.func @transform_3(%arg0: i32) -> (i32, i32) {
    %c0_i32 = arith.constant 0 : i32
    %c0_i32_0 = arith.constant 0 : i32
    %c0_i32_1 = arith.constant 0 : i32
    return %c0_i32, %c0_i32_0 : i32, i32
  }
  func.func @transform_4(%arg0: i32) -> (i32, i32) {
    %c0_i32 = arith.constant 0 : i32
    %c0_i32_0 = arith.constant 0 : i32
    %c0_i32_1 = arith.constant 0 : i32
    return %c0_i32, %c0_i32_0 : i32, i32
  }
  func.func @transform_5(%arg0: i32) -> (i32, i32, i32) {
    %c0_i32 = arith.constant 0 : i32
    %c0_i32_0 = arith.constant 0 : i32
    %c0_i32_1 = arith.constant 0 : i32
    return %arg0, %c0_i32, %c0_i32_0 : i32, i32, i32
  }
}

</mosaic_0001>

<sc_bundles>
// kernel: kernel.14.cloned.1.call-start
scs
__scs_entry_jumppad:
0x0: {  	(pc) =	sbr.rel $0x88, $3  }
0x1: {  	(tag) =	ssettag $0x0;
	lr =	simm.s32 $0x1  }
0x2: {  	[smem:$0x3F9A] =	sst lr;
	_ =	strace $0xD0000000  }
0x3: {  	_ = 	snop  }
0x4: {  	_ = 	snop  }
0x5: {  	_ = 	snop  }
0x6: {  	_ = 	snop  }
0x7: {  	_ = 	snop  }
__scs_overlays_trampoline_lowered:
0x8: {  	[smem:$0x3FA9] =	sst s0  }
0x9: {  	[smem:$0x3FAA] =	sst s1  }
0xa: {  	[smem:$0x3FAB] =	sst s2  }
0xb: {  	[smem:$0x3FAC] =	sst s3  }
0xc: {  	[smem:$0x3FAD] =	sst s4  }
0xd: {  	[smem:$0x3FAE] =	sst s5  }
0xe: {  	[smem:$0x3FAF] =	sst s6  }
0xf: {  	[smem:$0x3FB0] =	sst s7  }
0x10: {  	[smem:$0x3FB1] =	sst s8  }
0x11: {  	[smem:$0x3FB2] =	sst s9;
	s0 =	simm.s32 @!p0 $0x0  }
0x12: {  	s1 =	sld [smem:$0x3F98];
	s0 =	simm.s32 @p0 $0x1  }
0x13: {  	[smem:$0x3FB3] =	sst s0;
	s0 =	simm.s32 @!p1 $0x0  }
0x14: {  	s2 =	sld [smem:$0x3F97];
	s0 =	simm.s32 @p1 $0x1  }
0x15: {  	[smem:$0x3FB4] =	sst s0;
	s0 =	simm.s32 @!p2 $0x0  }
0x16: {  	s3 =	sld [smem:$0x3FDB];
	s0 =	simm.s32 @p2 $0x1  }
0x17: {  	s4 =	simm.s32 $0x1BF5;
	[smem:$0x3FB6] =	sst s0  }
0x18: {  	s0 =	sld [smem:$0x3F99];
	_ =	swait.ge [sflag:s4], $0x0  }
0x19: {  	s7 =	sld [smem:$0x3F9A]  }
0x1a: {  	s8 =	sadd.s32 $0xFFFFE003, lr  }
0x1b: {  	s9 =	sadd.s32 $0xFFFFFEF7, lr;
	s5 =	simm.s32 $0xFFFFFFFF;
	p2 =	slt.u32 s8, $0xFFFFF086  }
0x1c: {  	p1 =	slt.u32 s9, $0xF7A;
	s5 =	simm.s32 @!p2 $0x0  }
0x1d: {  	s5 =	simm.s32 @p1 $0x1;
	p0 =	seq.s32 s7, s2  }
0x1e: {  	s7 =	smul.u32 @!p0 $0xF7A, s2;
	p2 =	seq.s32 @!p0 s5, $0x0  }
0x1f: {  	s9 =	smul.u32 $0xF7A, s1;
	s8 =	simm.s32 @!p0 $0x1BF5;
	p2 =	por !p2, p0  }
0x20: {  	[sflag:s8] =	ssyncset.s32 @!p0 $0xFFFFF086;
	s6 =	sadd.s32 @!p0 s3, s7;
	s7 =	simm.s32 @!p0 $0x108  }
0x21: {  	s3 =	sadd.s32 s3, s9;
	s6 =	sadd.s32 @!p0 $0x88, s6;
	s7 =	simm.s32 @p2 $0x1082  }
0x22: {  	[simem:s7], [sflag:s8] =	dma.local @!p0 [hbm:s6], $0xF7A  }
0x23: {  	s9 =	sor.u32 $0xD0000000, s2;
	s6 =	simm.s32 $0x108;
	_ =	swait.ge @!p0 [sflag:s8], $0x0  }
0x24: {  	s3 =	sadd.s32 $0x88, s3;
	s6 =	simm.s32 @!p1 $0x1082;
	[sflag:s4] =	ssyncset.s32 $0xFFFFF086  }
0x25: {  	[simem:s6], [sflag:s4] =	dma.local [hbm:s3], $0xF7A  }
0x26: {  	[smem:$0x3F9A] =	sst s1;
	(tag) =	ssettag s2;
	_ =	strace s9  }
0x27: {  	s1 =	sld [smem:$0x3FAA]  }
0x28: {  	s2 =	sld [smem:$0x3FAB]  }
0x29: {  	s4 =	sld [smem:$0x3FAD]  }
0x2a: {  	p0 =	seq.s32 s5, $0x0;
	s5 =	sld [smem:$0x3FAE]  }
0x2b: {  	s6 =	sld [smem:$0x3FAF]  }
0x2c: {  	s7 =	sld [smem:$0x3FB0]  }
0x2d: {  	s3 =	simm.s32 $0x108;
	s8 =	sld [smem:$0x3FB1]  }
0x2e: {  	s3 =	simm.s32 @!p0 $0x1082;
	s9 =	sld [smem:$0x3FB2]  }
0x2f: {  	lr =	sadd.s32 s0, s3;
	s0 =	sld [smem:$0x3FA9]  }
0x30: {  	s3 =	sld [smem:$0x3FAC]  }
0x31: {  	[smem:$0x3FB5] =	sst s10  }
0x32: {  	s10 =	sld [smem:$0x3FB3];
	_ =	sdelay $0x3  }
0x33: {  	p0 =	seq.s32 s10, $0x1;
	s10 =	sld [smem:$0x3FB5];
	_ =	sdelay $0x3  }
0x34: {  	[smem:$0x3FB5] =	sst s10  }
0x35: {  	s10 =	sld [smem:$0x3FB4];
	_ =	sdelay $0x3  }
0x36: {  	p1 =	seq.s32 s10, $0x1;
	s10 =	sld [smem:$0x3FB5];
	_ =	sdelay $0x3  }
0x37: {  	[smem:$0x3FB5] =	sst s10  }
0x38: {  	s10 =	sld [smem:$0x3FB6]  }
0x39: {  	_ = 	snop;
	(pc) =	sbr.ind lr, $3  }
0x3a: {  	_ = 	snop  }
0x3b: {  	_ = 	snop  }
0x3c: {  	p2 =	seq.s32 s10, $0x1;
	s10 =	sld [smem:$0x3FB5]  }
0x3d: {  	_ =	shalt  }
0x3e: {  	_ =	shalt  }
0x3f: {  	_ =	shalt  }
0x40: {  	_ =	shalt  }
0x41: {  	_ =	shalt  }
0x42: {  	_ =	shalt  }
0x43: {  	_ =	shalt  }
0x44: {  	_ =	shalt  }
0x45: {  	_ =	shalt  }
0x46: {  	_ =	shalt  }
0x47: {  	_ =	shalt  }
0x48: {  	_ =	shalt  }
0x49: {  	_ =	shalt  }
0x4a: {  	_ =	shalt  }
0x4b: {  	_ =	shalt  }
0x4c: {  	_ =	shalt  }
0x4d: {  	_ =	shalt  }
0x4e: {  	_ =	shalt  }
0x4f: {  	_ =	shalt  }
0x50: {  	_ =	shalt  }
0x51: {  	_ =	shalt  }
0x52: {  	_ =	shalt  }
0x53: {  	_ =	shalt  }
0x54: {  	_ =	shalt  }
0x55: {  	_ =	shalt  }
0x56: {  	_ =	shalt  }
0x57: {  	_ =	shalt  }
0x58: {  	_ =	shalt  }
0x59: {  	_ =	shalt  }
0x5a: {  	_ =	shalt  }
0x5b: {  	_ =	shalt  }
0x5c: {  	_ =	shalt  }
0x5d: {  	_ =	shalt  }
0x5e: {  	_ =	shalt  }
0x5f: {  	_ =	shalt  }
0x60: {  	_ =	shalt  }
0x61: {  	_ =	shalt  }
0x62: {  	_ =	shalt  }
0x63: {  	_ =	shalt  }
0x64: {  	_ =	shalt  }
0x65: {  	_ =	shalt  }
0x66: {  	_ =	shalt  }
0x67: {  	_ =	shalt  }
0x68: {  	_ =	shalt  }
0x69: {  	_ =	shalt  }
0x6a: {  	_ =	shalt  }
0x6b: {  	_ =	shalt  }
0x6c: {  	_ =	shalt  }
0x6d: {  	_ =	shalt  }
0x6e: {  	_ =	shalt  }
0x6f: {  	_ =	shalt  }
0x70: {  	_ =	shalt  }
0x71: {  	_ =	shalt  }
0x72: {  	_ =	shalt  }
0x73: {  	_ =	shalt  }
0x74: {  	_ =	shalt  }
0x75: {  	_ =	shalt  }
0x76: {  	_ =	shalt  }
0x77: {  	_ =	shalt  }
0x78: {  	_ =	shalt  }
0x79: {  	_ =	shalt  }
0x7a: {  	_ =	shalt  }
0x7b: {  	_ =	shalt  }
0x7c: {  	_ =	shalt  }
0x7d: {  	_ =	shalt  }
0x7e: {  	_ =	shalt  }
0x7f: {  	_ =	shalt  }
0x80: {  	_ =	shalt  }
0x81: {  	_ =	shalt  }
0x82: {  	_ =	shalt  }
0x83: {  	_ =	shalt  }
0x84: {  	_ =	shalt  }
0x85: {  	_ =	shalt  }
0x86: {  	_ =	shalt  }
0x87: {  	_ =	shalt  }
.Lfunc_end0:
.L_simem_size_0:
called_computation_lowered:
.L_overlay_start_0:
0x88: {  	s2 =	sld [smem:$0x3FD9]  }
0x89: {  	s3 =	sld [smem:$0x3FFE];
	_ =	sdelay $0x1  }
0x8a: {  	s1 =	srdreg.scid  }
0x8b: {  	s0 =	sand.u32 $0x1, s1  }
0x8c: {  	s17 =	sshll.u32 s0, $0xA;
	s2 =	sadd.s32 s3, s2  }
0x8d: {  	s2 =	sadd.s32 s2, s17  }
0x8e: {  	[smem:$0x3FC1] =	sst s2  }
0x8f: {  	_ = 	snop  }
0x90: {  	s18 =	sld [smem:$0x3FD0];
	(tm) =	ssettm $0x1  }
0x91: {  	s19 =	sld [smem:$0x3FFB];
	_ =	sdelay $0x3  }
0x92: {  	_ =	strace s19  }
0x93: {  	s2 =	sld [smem:$0x3FFC];
	_ =	sdelay $0x3  }
0x94: {  	_ =	strace s2  }
0x95: {  	s2 =	sld [smem:$0x3FFD];
	_ =	sdelay $0x3  }
0x96: {  	_ =	strace s2  }
0x97: {  	_ =	strace $0x8FFFFFFF  }
0x98: {  	s20 =	sld [smem:$0x3FDB];
	_ =	sdelay $0x1  }
0x99: {  	s4 =	simm.s32 $_scs_section_size  }
0x9a: {  	s5 =	simm.s32 $_size__tile_overlayer_lowered;
	s6 =	simm.s32 $_tile_overlayer_lowered  }
0x9b: {  	s7 =	simm.s32 $0x1BFF;
	s21 =	sshll.u32 s6, $0x1;
	s4 =	sadd.s32 s4, s20  }
0x9c: {  	s22 =	simm.s32 $0x0;
	s5 =	sshll.u32 s5, $0x1;
	s6 =	sadd.s32 s21, s4  }
0x9d: {  	[timem:s22], [sflag:s7] =	dma.local [hbm:s6], s5  }
0x9e: {  	_ =	swait.ge [sflag:s7], s5  }
0x9f: {  	s5 =	ssub.s32 $0x0, s5;
	[sflag:s7] =	ssyncset.done $0x0  }
0xa0: {  	[sflag:s7] =	ssyncadd.s32 s5;
	_ =	sdelay $0x1  }
0xa1: {  	s23 =	simm.s32 $0x1B8B  }
0xa2: {  	_ =	swait.ge [sflag:s23], $0x1  }
0xa3: {  	[sflag:s23] =	ssyncset.done $0x0  }
0xa4: {  	[sflag:s23] =	ssyncadd.s32 $0xFFFFFFFF  }
0xa5: {  	s5 =	sld [smem:$0x0]  }
0xa6: {  	s6 =	sand.u32 $0xFFFFFFFE, s1  }
0xa7: {  	p0 =	sne.s32 s1, s6  }
0xa8: {  	s6 =	sshll.u32 @p0 s6, $0xE  }
0xa9: {  	s6 =	sadd.s32 @p0 $0x11B8D, s6;
	s7 =	sshll.u32 @p0 s5, $0x11  }
0xaa: {  	s6 =	sor.u32 @p0 s7, s6  }
0xab: {  	[sflag:s6] =	ssyncadd.remote.s32 @p0 $0x1;
	_ =	sdelay $0x1  }
0xac: {  	s6 =	simm.s32 @p0 $0x1B8D  }
0xad: {  	_ =	swait.eq @p0 [sflag:s6], $0x1  }
0xae: {  	[sflag:s6] =	ssyncadd.s32 @p0 $0xFFFFFFFF  }
0xaf: {  	s7 =	sshll.u32 @!p0 s1, $0xE  }
0xb0: {  	s7 =	sor.u32 @!p0 $0x4000, s7;
	s6 =	simm.s32 @!p0 $0x1B8D  }
0xb1: {  	s5 =	sshll.u32 @!p0 s5, $0x11;
	s7 =	sadd.s32 @!p0 $0x11B8D, s7;
	_ =	swait.eq @!p0 [sflag:s6], $0x1  }
0xb2: {  	s5 =	sor.u32 @!p0 s5, s7;
	[sflag:s6] =	ssyncadd.s32 @!p0 $0xFFFFFFFF  }
0xb3: {  	s25 =	simm.s32 $0x1B8E;
	s24 =	sld [smem:$0x3FFE];
	[sflag:s5] =	ssyncadd.remote.s32 @!p0 $0x1  }
0xb4: {  	s26 =	simm.s32 $execute0_lowered;
	[smem:$0x3FD2] =	sst s25  }
0xb5: {  	s6 =	sshll.u32 s26, $0x1;
	_ =	strace $0x8000004F;
	[dreg:$0x1] =	wrdreg $0xFFFFFFFF  }
0xb6: {  	s28 =	simm.s32 $_size_execute0_lowered;
	s4 =	sadd.s32 s4, s6;
	[dreg:$0x0] =	wrdreg $0x0  }
0xb7: {  	s6 =	sshll.u32 s28, $0x1;
	[dreg:$0x2] =	wrdreg s4  }
0xb8: {  	[dreg:$0x3] =	wrdreg s6  }
0xb9: {  	[dreg:$0x4] =	wrdreg $0xC0  }
0xba: {  	_ =	task [dreg:s22], $0x5FFFF  }
0xbb: {  	[dreg:$0x1] =	wrdreg $0xFFFFFFFF  }
0xbc: {  	[dreg:$0x0] =	wrdreg $0x60  }
0xbd: {  	[dreg:$0x2] =	wrdreg s24  }
0xbe: {  	[dreg:$0x3] =	wrdreg s18  }
0xbf: {  	[dreg:$0x4] =	wrdreg $0x9  }
0xc0: {  	_ =	task.clear_ibuf [dreg:s22], $0x5FFFF;
	_ =	strace $0x9000004F  }
0xc1: {  	s29 =	simm.s32 $0x9;
	_ =	strace $0x80000051  }
0xc2: {  	_ =	swait.ge [sflag:s29], $0x1  }
0xc3: {  	[sflag:s29] =	ssyncadd.s32 $0xFFFFFFFF  }
0xc4: {  	_ =	strace $0x90000051  }
0xc5: {  	_ =	sfence  }
0xc6: {  	s30 =	sld [smem:$0x0];
	_ =	sdelay $0x2  }
0xc7: {  	s31 =	sshll.u32 s1, $0xD;
	s1 =	sshrl.u32 s1, $0x2  }
0xc8: {  	s4 =	sand.u32 $0x4000, s31;
	s1 =	sadd.s32 s1, s30  }
0xc9: {  	s0 =	sor.u32 s4, s0;
	s1 =	sshll.u32 s1, $0x11  }
0xca: {  	s0 =	sor.u32 s1, s0  }
0xcb: {  	s0 =	sadd.s32 $0x8F2B, s0  }
0xcc: {  	[sflag:s0] =	ssyncadd.remote.s32 $0x1  }
0xcd: {  	_ =	sfence.sel $0xFFFF  }
0xce: {  	[dreg:$0x0] =	wrdreg $0xFFFFFFFF;
	(pc) =	sbr.abs _section_cstart, $3  }
0xcf: {  	[dreg:$0x1] =	wrdreg $0xFFFFFFFF  }
0xd0: {  	_ =	task.clear_ibuf [dreg:s22], $0x2FFFF;
	_ =	strace $0x9FFFFFFF  }
0xd1: {  	(tm) =	ssettm $0x7FFFFFFF  }
tec
execute0_lowered:
.L_overlay_start_1:
0x0: {  	(tag) =	ssettag $0x1  }
0x1: {  	s4 =	rddreg [dreg:$0x0]  }
0x2: {  	s5 =	rddreg [dreg:$0x1]  }
0x3: {  	s0 =	rddreg [dreg:$0x2];
	s3 =	srdreg.scid  }
0x4: {  	s2 =	simm.s32 $0x0;
	s1 =	stileid.u32;
	s10 =	simm.s32 $0x0  }
0x5: {  	s6 =	sand.u32 $0x1, s3;
	[smem:$0x7FF] =	sst s2;
	s29 =	sshll.u32 s1, $0xC  }
0x6: {  	s3 =	sadd.s32 $0x368E00, s4;
	s31 =	sshll.u32 s1, $0x10;
	s7 =	sshll.u32 s6, $0xB  }
0x7: {  	_ =	strace $0x80000050;
	s8 =	ssub.s32 $0x2, s6;
	s5 =	sadd.s32 s31, s5  }
0x8: {  	s6 =	sshll.u32 s6, $0xF;
	s7 =	sor.u32 s7, s29;
	s9 =	sshrl.u32 s8, $0x1  }
0x9: {  	s5 =	sadd.s32 s6, s5;
	s7 =	sshrl.u32 s7, $0x3;
	s30 =	ssub.s32 s8, s9  }
0xa: {  	s8 =	simm.s32 $0x80;
	s9 =	simm.s32 $0x1;
	s7 =	sadd.s32 s7, s4  }
0xb: {  	s4 =	smax.u32 s30, $0x1;
	s6 =	sadd.s32 $0x388E00, s7;
	s7 =	simm.s32 $0x2  }
.LBB2_1:
0xc: {  	s11 =	sadd.s32 $0x0, s6  }
0xd: {  	[tilespmem:s2], [sflag:$0x2] =	stream.linear.gather [hbm4b:s11+s2], $0x80, $0x38;
	[tilespmem:$0x4080] =	vst v63  }
0xe: {  	_ =	swait.ge [sflag:s7], $0x80  }
0xf: {  	[sflag:s7] =	ssyncset.done $0x0  }
0x10: {  	[sflag:s7] =	ssyncadd.s32 $0xFFFFFF80  }
0x11: {  	[tilespmem:s8], [sflag:$0x1] =	stream.indirect.gather [hbm4b:s3+s8], $0x80, s2, s8, $0xb8;
	[tilespmem:$0x4080] =	vst v63  }
0x12: {  	_ =	swait.ge [sflag:s9], $0x4000  }
0x13: {  	[sflag:s9] =	ssyncset.done $0x0  }
0x14: {  	[sflag:s9] =	ssyncadd.s32 $0xFFFFC000  }
0x15: {  	[hbm4b:s5+s2] =	stream.linear.scatter [tilespmem:s8], [sflag:$0x2], $0x4000, $0x38;
	[tilespmem:$0x4080] =	vst v63  }
0x16: {  	s12 =	simm.s32 $0x10;
	_ =	swait.ge [sflag:s7], $0x4000  }
0x17: {  	s13 =	simm.s32 $0x20;
	s11 =	sadd.s32 $0x800, s5;
	[sflag:s7] =	ssyncset.done $0x0  }
.LBB2_2:
0x18: {  	s14 =	sadd.s32 s12, s6  }
0x19: {  	[sflag:s7] =	ssyncadd.s32 $0xFFFFC000;
	s12 =	smov.u32 s13;
	s15 =	sadd.s32 $0x10, s13  }
0x1a: {  	[tilespmem:s2], [sflag:$0x2] =	stream.linear.gather [hbm4b:s14+s2], $0x80, $0x38;
	[tilespmem:$0x4080] =	vst v63  }
0x1b: {  	p0 =	sne.s32 s13, $0xF0;
	_ =	swait.ge [sflag:s7], $0x80  }
0x1c: {  	[sflag:s7] =	ssyncset.done $0x0  }
0x1d: {  	[sflag:s7] =	ssyncadd.s32 $0xFFFFFF80  }
0x1e: {  	[tilespmem:s8], [sflag:$0x1] =	stream.indirect.gather [hbm4b:s3+s8], $0x80, s2, s8, $0xb8;
	[tilespmem:$0x4080] =	vst v63  }
0x1f: {  	_ =	swait.ge [sflag:s9], $0x4000  }
.Ltmp0:
0x20: {  	[sflag:s9] =	ssyncset.done $0x0;
	(pc) =	sbr.rel @p0 .LBB2_2-.Ltmp0, $4  }
0x21: {  	[sflag:s9] =	ssyncadd.s32 $0xFFFFC000  }
0x22: {  	[hbm4b:s11+s2] =	stream.linear.scatter [tilespmem:s8], [sflag:$0x2], $0x4000, $0x38;
	[tilespmem:$0x4080] =	vst v63  }
0x23: {  	_ =	swait.ge [sflag:s7], $0x4000  }
0x24: {  	s13 =	smov.u32 s15;
	s11 =	sadd.s32 $0x800, s11;
	[sflag:s7] =	ssyncset.done $0x0  }
0x25: {  	s12 =	sadd.s32 s12, s6;
	[sflag:s7] =	ssyncadd.s32 $0xFFFFC000  }
0x26: {  	[tilespmem:s2], [sflag:$0x2] =	stream.linear.gather [hbm4b:s12+s2], $0x80, $0x38;
	[tilespmem:$0x4080] =	vst v63  }
0x27: {  	_ =	swait.ge [sflag:s7], $0x80  }
0x28: {  	[sflag:s7] =	ssyncset.done $0x0  }
0x29: {  	[sflag:s7] =	ssyncadd.s32 $0xFFFFFF80  }
0x2a: {  	[tilespmem:s8], [sflag:$0x1] =	stream.indirect.gather [hbm4b:s3+s8], $0x80, s2, s8, $0xb8;
	[tilespmem:$0x4080] =	vst v63  }
0x2b: {  	s10 =	sadd.s32 $0x1, s10;
	_ =	swait.ge [sflag:s9], $0x4000  }
0x2c: {  	p0 =	sne.s32 s10, s4;
	[sflag:s9] =	ssyncset.done $0x0  }
.Ltmp1:
0x2d: {  	[sflag:s9] =	ssyncadd.s32 $0xFFFFC000;
	(pc) =	sbr.rel @p0 .LBB2_1-.Ltmp1, $4  }
0x2e: {  	[hbm4b:s11+s2] =	stream.linear.scatter [tilespmem:s8], [sflag:$0x2], $0x4000, $0x38;
	[tilespmem:$0x4080] =	vst v63  }
0x2f: {  	_ =	swait.ge [sflag:s7], $0x4000  }
0x30: {  	[sflag:s7] =	ssyncset.done $0x0  }
0x31: {  	[sflag:s7] =	ssyncadd.s32 $0xFFFFC000  }
0x32: {  	_ =	sfence.sel $0x180000  }
0x33: {  	[bflag:$0x0] =	sbarrier.arrive $0xFFFF  }
0x34: {  	p0 =	sne.s32 s1, $0x0;
	_ =	strace $0x90000050  }
0x35: {  	s0 =	sadd.s32 @!p0 $0x100000, s0;
	[bflag:$0x2] =	sbarrier.arrive $0xFFFF  }
0x36: {  	[sflag:s0] =	ssyncadd.tile.s32 @!p0 $0x1;
	_ =	shalt  }
.Lfunc_end2:
_tile_overlayer_lowered:
.L_overlay_start_2:
0x37: {  	(tag) =	ssettag $0x2  }
0x38: {  	s0 =	rddreg [dreg:$0x0];
	s2 =	stileid.u32  }
0x39: {  	s1 =	rddreg [dreg:$0x1];
	p0 =	sne.s32 s2, $0x0  }
0x3a: {  	s3 =	rddreg [dreg:$0x2];
	[bflag:$0x3] =	sbarrier.arrive $0xFFFF;
	s2 =	simm.s32 @!p0 $0x1C02  }
0x3b: {  	[timem:s3], [sflag:s2] =	dma.local @!p0 [hbm:s0], s1  }
0x3c: {  	s0 =	simm.s32 @!p0 $0x2  }
0x3d: {  	_ =	swait.ge @!p0 [sflag:s0], s1  }
0x3e: {  	s1 =	ssub.s32 @!p0 $0x0, s1;
	[sflag:s0] =	ssyncset.done @!p0 $0x0  }
0x3f: {  	[sflag:s0] =	ssyncadd.s32 @!p0 s1  }
0x40: {  	[bflag:$0x3] =	sbarrier.arrive $0xFFFF  }
0x41: {  	_ =	shalt  }

// kernel: kernel.17.cloned.1.call-start
scs
__scs_entry_jumppad:
0x0: {  	(pc) =	sbr.rel $0x88, $3  }
0x1: {  	(tag) =	ssettag $0x0;
	lr =	simm.s32 $0x1  }
0x2: {  	[smem:$0x3F9A] =	sst lr;
	_ =	strace $0xD0000000  }
0x3: {  	_ = 	snop  }
0x4: {  	_ = 	snop  }
0x5: {  	_ = 	snop  }
0x6: {  	_ = 	snop  }
0x7: {  	_ = 	snop  }
__scs_overlays_trampoline_lowered:
0x8: {  	[smem:$0x3FA9] =	sst s0  }
0x9: {  	[smem:$0x3FAA] =	sst s1  }
0xa: {  	[smem:$0x3FAB] =	sst s2  }
0xb: {  	[smem:$0x3FAC] =	sst s3  }
0xc: {  	[smem:$0x3FAD] =	sst s4  }
0xd: {  	[smem:$0x3FAE] =	sst s5  }
0xe: {  	[smem:$0x3FAF] =	sst s6  }
0xf: {  	[smem:$0x3FB0] =	sst s7  }
0x10: {  	[smem:$0x3FB1] =	sst s8  }
0x11: {  	[smem:$0x3FB2] =	sst s9;
	s0 =	simm.s32 @!p0 $0x0  }
0x12: {  	s1 =	sld [smem:$0x3F98];
	s0 =	simm.s32 @p0 $0x1  }
0x13: {  	[smem:$0x3FB3] =	sst s0;
	s0 =	simm.s32 @!p1 $0x0  }
0x14: {  	s2 =	sld [smem:$0x3F97];
	s0 =	simm.s32 @p1 $0x1  }
0x15: {  	[smem:$0x3FB4] =	sst s0;
	s0 =	simm.s32 @!p2 $0x0  }
0x16: {  	s3 =	sld [smem:$0x3FDB];
	s0 =	simm.s32 @p2 $0x1  }
0x17: {  	s4 =	simm.s32 $0x1BF5;
	[smem:$0x3FB6] =	sst s0  }
0x18: {  	s0 =	sld [smem:$0x3F99];
	_ =	swait.ge [sflag:s4], $0x0  }
0x19: {  	s7 =	sld [smem:$0x3F9A]  }
0x1a: {  	s8 =	sadd.s32 $0xFFFFE003, lr  }
0x1b: {  	s9 =	sadd.s32 $0xFFFFFEF7, lr;
	s5 =	simm.s32 $0xFFFFFFFF;
	p2 =	slt.u32 s8, $0xFFFFF086  }
0x1c: {  	p1 =	slt.u32 s9, $0xF7A;
	s5 =	simm.s32 @!p2 $0x0  }
0x1d: {  	s5 =	simm.s32 @p1 $0x1;
	p0 =	seq.s32 s7, s2  }
0x1e: {  	s7 =	smul.u32 @!p0 $0xF7A, s2;
	p2 =	seq.s32 @!p0 s5, $0x0  }
0x1f: {  	s9 =	smul.u32 $0xF7A, s1;
	s8 =	simm.s32 @!p0 $0x1BF5;
	p2 =	por !p2, p0  }
0x20: {  	[sflag:s8] =	ssyncset.s32 @!p0 $0xFFFFF086;
	s6 =	sadd.s32 @!p0 s3, s7;
	s7 =	simm.s32 @!p0 $0x108  }
0x21: {  	s3 =	sadd.s32 s3, s9;
	s6 =	sadd.s32 @!p0 $0x88, s6;
	s7 =	simm.s32 @p2 $0x1082  }
0x22: {  	[simem:s7], [sflag:s8] =	dma.local @!p0 [hbm:s6], $0xF7A  }
0x23: {  	s9 =	sor.u32 $0xD0000000, s2;
	s6 =	simm.s32 $0x108;
	_ =	swait.ge @!p0 [sflag:s8], $0x0  }
0x24: {  	s3 =	sadd.s32 $0x88, s3;
	s6 =	simm.s32 @!p1 $0x1082;
	[sflag:s4] =	ssyncset.s32 $0xFFFFF086  }
0x25: {  	[simem:s6], [sflag:s4] =	dma.local [hbm:s3], $0xF7A  }
0x26: {  	[smem:$0x3F9A] =	sst s1;
	(tag) =	ssettag s2;
	_ =	strace s9  }
0x27: {  	s1 =	sld [smem:$0x3FAA]  }
0x28: {  	s2 =	sld [smem:$0x3FAB]  }
0x29: {  	s4 =	sld [smem:$0x3FAD]  }
0x2a: {  	p0 =	seq.s32 s5, $0x0;
	s5 =	sld [smem:$0x3FAE]  }
0x2b: {  	s6 =	sld [smem:$0x3FAF]  }
0x2c: {  	s7 =	sld [smem:$0x3FB0]  }
0x2d: {  	s3 =	simm.s32 $0x108;
	s8 =	sld [smem:$0x3FB1]  }
0x2e: {  	s3 =	simm.s32 @!p0 $0x1082;
	s9 =	sld [smem:$0x3FB2]  }
0x2f: {  	lr =	sadd.s32 s0, s3;
	s0 =	sld [smem:$0x3FA9]  }
0x30: {  	s3 =	sld [smem:$0x3FAC]  }
0x31: {  	[smem:$0x3FB5] =	sst s10  }
0x32: {  	s10 =	sld [smem:$0x3FB3];
	_ =	sdelay $0x3  }
0x33: {  	p0 =	seq.s32 s10, $0x1;
	s10 =	sld [smem:$0x3FB5];
	_ =	sdelay $0x3  }
0x34: {  	[smem:$0x3FB5] =	sst s10  }
0x35: {  	s10 =	sld [smem:$0x3FB4];
	_ =	sdelay $0x3  }
0x36: {  	p1 =	seq.s32 s10, $0x1;
	s10 =	sld [smem:$0x3FB5];
	_ =	sdelay $0x3  }
0x37: {  	[smem:$0x3FB5] =	sst s10  }
0x38: {  	s10 =	sld [smem:$0x3FB6]  }
0x39: {  	_ = 	snop;
	(pc) =	sbr.ind lr, $3  }
0x3a: {  	_ = 	snop  }
0x3b: {  	_ = 	snop  }
0x3c: {  	p2 =	seq.s32 s10, $0x1;
	s10 =	sld [smem:$0x3FB5]  }
0x3d: {  	_ =	shalt  }
0x3e: {  	_ =	shalt  }
0x3f: {  	_ =	shalt  }
0x40: {  	_ =	shalt  }
0x41: {  	_ =	shalt  }
0x42: {  	_ =	shalt  }
0x43: {  	_ =	shalt  }
0x44: {  	_ =	shalt  }
0x45: {  	_ =	shalt  }
0x46: {  	_ =	shalt  }
0x47: {  	_ =	shalt  }
0x48: {  	_ =	shalt  }
0x49: {  	_ =	shalt  }
0x4a: {  	_ =	shalt  }
0x4b: {  	_ =	shalt  }
0x4c: {  	_ =	shalt  }
0x4d: {  	_ =	shalt  }
0x4e: {  	_ =	shalt  }
0x4f: {  	_ =	shalt  }
0x50: {  	_ =	shalt  }
0x51: {  	_ =	shalt  }
0x52: {  	_ =	shalt  }
0x53: {  	_ =	shalt  }
0x54: {  	_ =	shalt  }
0x55: {  	_ =	shalt  }
0x56: {  	_ =	shalt  }
0x57: {  	_ =	shalt  }
0x58: {  	_ =	shalt  }
0x59: {  	_ =	shalt  }
0x5a: {  	_ =	shalt  }
0x5b: {  	_ =	shalt  }
0x5c: {  	_ =	shalt  }
0x5d: {  	_ =	shalt  }
0x5e: {  	_ =	shalt  }
0x5f: {  	_ =	shalt  }
0x60: {  	_ =	shalt  }
0x61: {  	_ =	shalt  }
0x62: {  	_ =	shalt  }
0x63: {  	_ =	shalt  }
0x64: {  	_ =	shalt  }
0x65: {  	_ =	shalt  }
0x66: {  	_ =	shalt  }
0x67: {  	_ =	shalt  }
0x68: {  	_ =	shalt  }
0x69: {  	_ =	shalt  }
0x6a: {  	_ =	shalt  }
0x6b: {  	_ =	shalt  }
0x6c: {  	_ =	shalt  }
0x6d: {  	_ =	shalt  }
0x6e: {  	_ =	shalt  }
0x6f: {  	_ =	shalt  }
0x70: {  	_ =	shalt  }
0x71: {  	_ =	shalt  }
0x72: {  	_ =	shalt  }
0x73: {  	_ =	shalt  }
0x74: {  	_ =	shalt  }
0x75: {  	_ =	shalt  }
0x76: {  	_ =	shalt  }
0x77: {  	_ =	shalt  }
0x78: {  	_ =	shalt  }
0x79: {  	_ =	shalt  }
0x7a: {  	_ =	shalt  }
0x7b: {  	_ =	shalt  }
0x7c: {  	_ =	shalt  }
0x7d: {  	_ =	shalt  }
0x7e: {  	_ =	shalt  }
0x7f: {  	_ =	shalt  }
0x80: {  	_ =	shalt  }
0x81: {  	_ =	shalt  }
0x82: {  	_ =	shalt  }
0x83: {  	_ =	shalt  }
0x84: {  	_ =	shalt  }
0x85: {  	_ =	shalt  }
0x86: {  	_ =	shalt  }
0x87: {  	_ =	shalt  }
.Lfunc_end0:
.L_simem_size_0:
called_computation.1_lowered:
.L_overlay_start_0:
0x88: {  	s2 =	sld [smem:$0x3FD9]  }
0x89: {  	s3 =	sld [smem:$0x3FFE];
	_ =	sdelay $0x1  }
0x8a: {  	s1 =	srdreg.scid  }
0x8b: {  	s0 =	sand.u32 $0x1, s1  }
0x8c: {  	s17 =	sshll.u32 s0, $0xA;
	s2 =	sadd.s32 s3, s2  }
0x8d: {  	s2 =	sadd.s32 s2, s17  }
0x8e: {  	[smem:$0x3FC1] =	sst s2  }
0x8f: {  	_ = 	snop  }
0x90: {  	(tm) =	ssettm $0x1  }
0x91: {  	s18 =	sld [smem:$0x3FFB];
	_ =	sdelay $0x3  }
0x92: {  	_ =	strace s18  }
0x93: {  	s2 =	sld [smem:$0x3FFC];
	_ =	sdelay $0x3  }
0x94: {  	_ =	strace s2  }
0x95: {  	s2 =	sld [smem:$0x3FFD];
	_ =	sdelay $0x3  }
0x96: {  	_ =	strace s2  }
0x97: {  	_ =	strace $0x8FFFFFFF  }
0x98: {  	s19 =	sld [smem:$0x3FDB];
	_ =	sdelay $0x1  }
0x99: {  	s20 =	simm.s32 $_scs_section_size  }
0x9a: {  	s4 =	simm.s32 $_size__tile_overlayer_lowered;
	s5 =	simm.s32 $_tile_overlayer_lowered  }
0x9b: {  	s6 =	simm.s32 $0x1BFF;
	s21 =	sshll.u32 s5, $0x1;
	s3 =	sadd.s32 s20, s19  }
0x9c: {  	s22 =	simm.s32 $0x0;
	s4 =	sshll.u32 s4, $0x1;
	s5 =	sadd.s32 s21, s3  }
0x9d: {  	[timem:s22], [sflag:s6] =	dma.local [hbm:s5], s4  }
0x9e: {  	_ =	swait.ge [sflag:s6], s4  }
0x9f: {  	s4 =	ssub.s32 $0x0, s4;
	[sflag:s6] =	ssyncset.done $0x0  }
0xa0: {  	[sflag:s6] =	ssyncadd.s32 s4;
	_ =	sdelay $0x1  }
0xa1: {  	s23 =	simm.s32 $0x1B8B  }
0xa2: {  	_ =	swait.ge [sflag:s23], $0x1  }
0xa3: {  	[sflag:s23] =	ssyncset.done $0x0  }
0xa4: {  	[sflag:s23] =	ssyncadd.s32 $0xFFFFFFFF  }
0xa5: {  	s4 =	sld [smem:$0x0]  }
0xa6: {  	s5 =	sand.u32 $0xFFFFFFFE, s1  }
0xa7: {  	p0 =	sne.s32 s1, s5  }
0xa8: {  	s5 =	sshll.u32 @p0 s5, $0xE  }
0xa9: {  	s5 =	sadd.s32 @p0 $0x11B8D, s5;
	s6 =	sshll.u32 @p0 s4, $0x11  }
0xaa: {  	s5 =	sor.u32 @p0 s6, s5  }
0xab: {  	[sflag:s5] =	ssyncadd.remote.s32 @p0 $0x1;
	_ =	sdelay $0x1  }
0xac: {  	s5 =	simm.s32 @p0 $0x1B8D  }
0xad: {  	_ =	swait.eq @p0 [sflag:s5], $0x1  }
0xae: {  	[sflag:s5] =	ssyncadd.s32 @p0 $0xFFFFFFFF  }
0xaf: {  	s6 =	sshll.u32 @!p0 s1, $0xE  }
0xb0: {  	s6 =	sor.u32 @!p0 $0x4000, s6;
	s5 =	simm.s32 @!p0 $0x1B8D  }
0xb1: {  	s4 =	sshll.u32 @!p0 s4, $0x11;
	s6 =	sadd.s32 @!p0 $0x11B8D, s6;
	_ =	swait.eq @!p0 [sflag:s5], $0x1  }
0xb2: {  	s4 =	sor.u32 @!p0 s4, s6;
	[sflag:s5] =	ssyncadd.s32 @!p0 $0xFFFFFFFF  }
0xb3: {  	s25 =	simm.s32 $0x1B8E;
	s24 =	sld [smem:$0x3FFE];
	[sflag:s4] =	ssyncadd.remote.s32 @!p0 $0x1  }
0xb4: {  	s26 =	simm.s32 $execute0_lowered;
	[smem:$0x3FD2] =	sst s25  }
0xb5: {  	s5 =	sshll.u32 s26, $0x1;
	_ =	strace $0x8000004C;
	[dreg:$0x1] =	wrdreg $0xFFFFFFFF  }
0xb6: {  	s28 =	simm.s32 $_size_execute0_lowered;
	s3 =	sadd.s32 s3, s5;
	[dreg:$0x0] =	wrdreg $0x0  }
0xb7: {  	s5 =	sshll.u32 s28, $0x1;
	[dreg:$0x2] =	wrdreg s3  }
0xb8: {  	[dreg:$0x3] =	wrdreg s5  }
0xb9: {  	[dreg:$0x4] =	wrdreg $0xC0  }
0xba: {  	_ =	task [dreg:s22], $0x5FFFF  }
0xbb: {  	[dreg:$0x1] =	wrdreg $0xFFFFFFFF  }
0xbc: {  	[dreg:$0x0] =	wrdreg $0x60  }
0xbd: {  	[dreg:$0x2] =	wrdreg s24  }
0xbe: {  	[dreg:$0x3] =	wrdreg $0xA  }
0xbf: {  	_ =	task.clear_ibuf [dreg:s22], $0x4FFFF;
	_ =	strace $0x9000004C  }
0xc0: {  	s29 =	simm.s32 $0xA;
	_ =	strace $0x8000004E  }
0xc1: {  	_ =	swait.ge [sflag:s29], $0x1  }
0xc2: {  	[sflag:s29] =	ssyncadd.s32 $0xFFFFFFFF  }
0xc3: {  	_ =	strace $0x9000004E  }
0xc4: {  	_ =	sfence  }
0xc5: {  	s30 =	sld [smem:$0x0];
	_ =	sdelay $0x2  }
0xc6: {  	s31 =	sshll.u32 s1, $0xD;
	s1 =	sshrl.u32 s1, $0x2  }
0xc7: {  	s4 =	sand.u32 $0x4000, s31;
	s1 =	sadd.s32 s1, s30  }
0xc8: {  	s0 =	sor.u32 s4, s0;
	s1 =	sshll.u32 s1, $0x11  }
0xc9: {  	s0 =	sor.u32 s1, s0  }
0xca: {  	s0 =	sadd.s32 $0x8F2B, s0  }
0xcb: {  	[sflag:s0] =	ssyncadd.remote.s32 $0x1  }
0xcc: {  	_ =	sfence.sel $0xFFFF  }
0xcd: {  	[dreg:$0x0] =	wrdreg $0xFFFFFFFF;
	(pc) =	sbr.abs _section_cstart, $3  }
0xce: {  	[dreg:$0x1] =	wrdreg $0xFFFFFFFF  }
0xcf: {  	_ =	task.clear_ibuf [dreg:s22], $0x2FFFF;
	_ =	strace $0x9FFFFFFF  }
0xd0: {  	(tm) =	ssettm $0x7FFFFFFF  }
0xd1: {  	_ =	shalt  }
tec
execute0_lowered:
.L_overlay_start_1:
0x0: {  	(tag) =	ssettag $0x1  }
0x1: {  	s4 =	rddreg [dreg:$0x0]  }
0x2: {  	s0 =	rddreg [dreg:$0x1];
	s2 =	simm.s32 $0x0;
	s3 =	srdreg.scid  }
0x3: {  	s1 =	stileid.u32;
	s10 =	simm.s32 $0x0;
	[smem:$0x7FF] =	sst s2  }
0x4: {  	s5 =	sand.u32 $0x1, s3;
	s6 =	sshll.u32 s1, $0xC;
	s3 =	sadd.s32 $0x246E00, s4  }
0x5: {  	s8 =	sshll.u32 s1, $0x10;
	_ =	strace $0x8000004D;
	s7 =	sshll.u32 s5, $0xB  }
0x6: {  	s31 =	ssub.s32 $0x2, s5;
	s8 =	sadd.s32 s8, s4;
	s5 =	sshll.u32 s5, $0xF  }
0x7: {  	s6 =	sor.u32 s7, s6;
	s9 =	sshrl.u32 s31, $0x1;
	s5 =	sadd.s32 s5, s8  }
0x8: {  	s8 =	simm.s32 $0x80;
	s6 =	sshrl.u32 s6, $0x3;
	s7 =	ssub.s32 s31, s9  }
0x9: {  	s5 =	sadd.s32 $0x268E00, s5;
	s9 =	simm.s32 $0x1;
	s6 =	sadd.s32 s6, s4  }
0xa: {  	s4 =	smax.u32 s7, $0x1;
	s7 =	simm.s32 $0x2;
	s6 =	sadd.s32 $0x266E00, s6  }
.LBB2_1:
0xb: {  	s11 =	sadd.s32 $0x0, s6  }
0xc: {  	[tilespmem:s2], [sflag:$0x2] =	stream.linear.gather [hbm4b:s11+s2], $0x80, $0x38;
	[tilespmem:$0x4080] =	vst v63  }
0xd: {  	_ =	swait.ge [sflag:s7], $0x80  }
0xe: {  	[sflag:s7] =	ssyncset.done $0x0  }
0xf: {  	[sflag:s7] =	ssyncadd.s32 $0xFFFFFF80  }
0x10: {  	[tilespmem:s8], [sflag:$0x1] =	stream.indirect.gather [hbm4b:s3+s8], $0x80, s2, s8, $0xb8;
	[tilespmem:$0x4080] =	vst v63  }
0x11: {  	_ =	swait.ge [sflag:s9], $0x4000  }
0x12: {  	[sflag:s9] =	ssyncset.done $0x0  }
0x13: {  	[sflag:s9] =	ssyncadd.s32 $0xFFFFC000  }
0x14: {  	[hbm4b:s5+s2] =	stream.linear.scatter [tilespmem:s8], [sflag:$0x2], $0x4000, $0x38;
	[tilespmem:$0x4080] =	vst v63  }
0x15: {  	s12 =	simm.s32 $0x10;
	_ =	swait.ge [sflag:s7], $0x4000  }
0x16: {  	s13 =	simm.s32 $0x20;
	s11 =	sadd.s32 $0x800, s5;
	[sflag:s7] =	ssyncset.done $0x0  }
.LBB2_2:
0x17: {  	s14 =	sadd.s32 s12, s6  }
0x18: {  	[sflag:s7] =	ssyncadd.s32 $0xFFFFC000;
	s12 =	smov.u32 s13;
	s15 =	sadd.s32 $0x10, s13  }
0x19: {  	[tilespmem:s2], [sflag:$0x2] =	stream.linear.gather [hbm4b:s14+s2], $0x80, $0x38;
	[tilespmem:$0x4080] =	vst v63  }
0x1a: {  	p0 =	sne.s32 s13, $0xF0;
	_ =	swait.ge [sflag:s7], $0x80  }
0x1b: {  	[sflag:s7] =	ssyncset.done $0x0  }
0x1c: {  	[sflag:s7] =	ssyncadd.s32 $0xFFFFFF80  }
0x1d: {  	[tilespmem:s8], [sflag:$0x1] =	stream.indirect.gather [hbm4b:s3+s8], $0x80, s2, s8, $0xb8;
	[tilespmem:$0x4080] =	vst v63  }
0x1e: {  	_ =	swait.ge [sflag:s9], $0x4000  }
.Ltmp0:
0x1f: {  	[sflag:s9] =	ssyncset.done $0x0;
	(pc) =	sbr.rel @p0 .LBB2_2-.Ltmp0, $4  }
0x20: {  	[sflag:s9] =	ssyncadd.s32 $0xFFFFC000  }
0x21: {  	[hbm4b:s11+s2] =	stream.linear.scatter [tilespmem:s8], [sflag:$0x2], $0x4000, $0x38;
	[tilespmem:$0x4080] =	vst v63  }
0x22: {  	_ =	swait.ge [sflag:s7], $0x4000  }
0x23: {  	s13 =	smov.u32 s15;
	s11 =	sadd.s32 $0x800, s11;
	[sflag:s7] =	ssyncset.done $0x0  }
0x24: {  	s12 =	sadd.s32 s12, s6;
	[sflag:s7] =	ssyncadd.s32 $0xFFFFC000  }
0x25: {  	[tilespmem:s2], [sflag:$0x2] =	stream.linear.gather [hbm4b:s12+s2], $0x80, $0x38;
	[tilespmem:$0x4080] =	vst v63  }
0x26: {  	_ =	swait.ge [sflag:s7], $0x80  }
0x27: {  	[sflag:s7] =	ssyncset.done $0x0  }
0x28: {  	[sflag:s7] =	ssyncadd.s32 $0xFFFFFF80  }
0x29: {  	[tilespmem:s8], [sflag:$0x1] =	stream.indirect.gather [hbm4b:s3+s8], $0x80, s2, s8, $0xb8;
	[tilespmem:$0x4080] =	vst v63  }
0x2a: {  	s10 =	sadd.s32 $0x1, s10;
	_ =	swait.ge [sflag:s9], $0x4000  }
0x2b: {  	p0 =	sne.s32 s10, s4;
	[sflag:s9] =	ssyncset.done $0x0  }
.Ltmp1:
0x2c: {  	[sflag:s9] =	ssyncadd.s32 $0xFFFFC000;
	(pc) =	sbr.rel @p0 .LBB2_1-.Ltmp1, $4  }
0x2d: {  	[hbm4b:s11+s2] =	stream.linear.scatter [tilespmem:s8], [sflag:$0x2], $0x4000, $0x38;
	[tilespmem:$0x4080] =	vst v63  }
0x2e: {  	_ =	swait.ge [sflag:s7], $0x4000  }
0x2f: {  	[sflag:s7] =	ssyncset.done $0x0  }
0x30: {  	[sflag:s7] =	ssyncadd.s32 $0xFFFFC000  }
0x31: {  	_ =	sfence.sel $0x180000  }
0x32: {  	[bflag:$0x0] =	sbarrier.arrive $0xFFFF  }
0x33: {  	p0 =	sne.s32 s1, $0x0;
	_ =	strace $0x9000004D  }
0x34: {  	s0 =	sadd.s32 @!p0 $0x100000, s0;
	[bflag:$0x2] =	sbarrier.arrive $0xFFFF  }
0x35: {  	[sflag:s0] =	ssyncadd.tile.s32 @!p0 $0x1;
	_ =	shalt  }
.Lfunc_end2:
_tile_overlayer_lowered:
.L_overlay_start_2:
0x36: {  	(tag) =	ssettag $0x2  }
0x37: {  	s0 =	rddreg [dreg:$0x0];
	s2 =	stileid.u32  }
0x38: {  	s1 =	rddreg [dreg:$0x1];
	p0 =	sne.s32 s2, $0x0  }
0x39: {  	s3 =	rddreg [dreg:$0x2];
	[bflag:$0x3] =	sbarrier.arrive $0xFFFF;
	s2 =	simm.s32 @!p0 $0x1C02  }
0x3a: {  	[timem:s3], [sflag:s2] =	dma.local @!p0 [hbm:s0], s1  }
0x3b: {  	s0 =	simm.s32 @!p0 $0x2  }
0x3c: {  	_ =	swait.ge @!p0 [sflag:s0], s1  }
0x3d: {  	s1 =	ssub.s32 @!p0 $0x0, s1;
	[sflag:s0] =	ssyncset.done @!p0 $0x0  }
0x3e: {  	[sflag:s0] =	ssyncadd.s32 @!p0 s1  }
0x3f: {  	[bflag:$0x3] =	sbarrier.arrive $0xFFFF  }
0x40: {  	_ =	shalt  }

// kernel: kernel.20.cloned.1.call-start
scs
__scs_entry_jumppad:
0x0: {  	(pc) =	sbr.rel $0x88, $3  }
0x1: {  	(tag) =	ssettag $0x0;
	lr =	simm.s32 $0x1  }
0x2: {  	[smem:$0x3F9A] =	sst lr;
	_ =	strace $0xD0000000  }
0x3: {  	_ = 	snop  }
0x4: {  	_ = 	snop  }
0x5: {  	_ = 	snop  }
0x6: {  	_ = 	snop  }
0x7: {  	_ = 	snop  }
__scs_overlays_trampoline_lowered:
0x8: {  	[smem:$0x3FA9] =	sst s0  }
0x9: {  	[smem:$0x3FAA] =	sst s1  }
0xa: {  	[smem:$0x3FAB] =	sst s2  }
0xb: {  	[smem:$0x3FAC] =	sst s3  }
0xc: {  	[smem:$0x3FAD] =	sst s4  }
0xd: {  	[smem:$0x3FAE] =	sst s5  }
0xe: {  	[smem:$0x3FAF] =	sst s6  }
0xf: {  	[smem:$0x3FB0] =	sst s7  }
0x10: {  	[smem:$0x3FB1] =	sst s8  }
0x11: {  	[smem:$0x3FB2] =	sst s9;
	s0 =	simm.s32 @!p0 $0x0  }
0x12: {  	s1 =	sld [smem:$0x3F98];
	s0 =	simm.s32 @p0 $0x1  }
0x13: {  	[smem:$0x3FB3] =	sst s0;
	s0 =	simm.s32 @!p1 $0x0  }
0x14: {  	s2 =	sld [smem:$0x3F97];
	s0 =	simm.s32 @p1 $0x1  }
0x15: {  	[smem:$0x3FB4] =	sst s0;
	s0 =	simm.s32 @!p2 $0x0  }
0x16: {  	s3 =	sld [smem:$0x3FDB];
	s0 =	simm.s32 @p2 $0x1  }
0x17: {  	s4 =	simm.s32 $0x1BF5;
	[smem:$0x3FB6] =	sst s0  }
0x18: {  	s0 =	sld [smem:$0x3F99];
	_ =	swait.ge [sflag:s4], $0x0  }
0x19: {  	s7 =	sld [smem:$0x3F9A]  }
0x1a: {  	s8 =	sadd.s32 $0xFFFFE003, lr  }
0x1b: {  	s9 =	sadd.s32 $0xFFFFFEF7, lr;
	s5 =	simm.s32 $0xFFFFFFFF;
	p2 =	slt.u32 s8, $0xFFFFF086  }
0x1c: {  	p1 =	slt.u32 s9, $0xF7A;
	s5 =	simm.s32 @!p2 $0x0  }
0x1d: {  	s5 =	simm.s32 @p1 $0x1;
	p0 =	seq.s32 s7, s2  }
0x1e: {  	s7 =	smul.u32 @!p0 $0xF7A, s2;
	p2 =	seq.s32 @!p0 s5, $0x0  }
0x1f: {  	s9 =	smul.u32 $0xF7A, s1;
	s8 =	simm.s32 @!p0 $0x1BF5;
	p2 =	por !p2, p0  }
0x20: {  	[sflag:s8] =	ssyncset.s32 @!p0 $0xFFFFF086;
	s6 =	sadd.s32 @!p0 s3, s7;
	s7 =	simm.s32 @!p0 $0x108  }
0x21: {  	s3 =	sadd.s32 s3, s9;
	s6 =	sadd.s32 @!p0 $0x88, s6;
	s7 =	simm.s32 @p2 $0x1082  }
0x22: {  	[simem:s7], [sflag:s8] =	dma.local @!p0 [hbm:s6], $0xF7A  }
0x23: {  	s9 =	sor.u32 $0xD0000000, s2;
	s6 =	simm.s32 $0x108;
	_ =	swait.ge @!p0 [sflag:s8], $0x0  }
0x24: {  	s3 =	sadd.s32 $0x88, s3;
	s6 =	simm.s32 @!p1 $0x1082;
	[sflag:s4] =	ssyncset.s32 $0xFFFFF086  }
0x25: {  	[simem:s6], [sflag:s4] =	dma.local [hbm:s3], $0xF7A  }
0x26: {  	[smem:$0x3F9A] =	sst s1;
	(tag) =	ssettag s2;
	_ =	strace s9  }
0x27: {  	s1 =	sld [smem:$0x3FAA]  }
0x28: {  	s2 =	sld [smem:$0x3FAB]  }
0x29: {  	s4 =	sld [smem:$0x3FAD]  }
0x2a: {  	p0 =	seq.s32 s5, $0x0;
	s5 =	sld [smem:$0x3FAE]  }
0x2b: {  	s6 =	sld [smem:$0x3FAF]  }
0x2c: {  	s7 =	sld [smem:$0x3FB0]  }
0x2d: {  	s3 =	simm.s32 $0x108;
	s8 =	sld [smem:$0x3FB1]  }
0x2e: {  	s3 =	simm.s32 @!p0 $0x1082;
	s9 =	sld [smem:$0x3FB2]  }
0x2f: {  	lr =	sadd.s32 s0, s3;
	s0 =	sld [smem:$0x3FA9]  }
0x30: {  	s3 =	sld [smem:$0x3FAC]  }
0x31: {  	[smem:$0x3FB5] =	sst s10  }
0x32: {  	s10 =	sld [smem:$0x3FB3];
	_ =	sdelay $0x3  }
0x33: {  	p0 =	seq.s32 s10, $0x1;
	s10 =	sld [smem:$0x3FB5];
	_ =	sdelay $0x3  }
0x34: {  	[smem:$0x3FB5] =	sst s10  }
0x35: {  	s10 =	sld [smem:$0x3FB4];
	_ =	sdelay $0x3  }
0x36: {  	p1 =	seq.s32 s10, $0x1;
	s10 =	sld [smem:$0x3FB5];
	_ =	sdelay $0x3  }
0x37: {  	[smem:$0x3FB5] =	sst s10  }
0x38: {  	s10 =	sld [smem:$0x3FB6]  }
0x39: {  	_ = 	snop;
	(pc) =	sbr.ind lr, $3  }
0x3a: {  	_ = 	snop  }
0x3b: {  	_ = 	snop  }
0x3c: {  	p2 =	seq.s32 s10, $0x1;
	s10 =	sld [smem:$0x3FB5]  }
0x3d: {  	_ =	shalt  }
0x3e: {  	_ =	shalt  }
0x3f: {  	_ =	shalt  }
0x40: {  	_ =	shalt  }
0x41: {  	_ =	shalt  }
0x42: {  	_ =	shalt  }
0x43: {  	_ =	shalt  }
0x44: {  	_ =	shalt  }
0x45: {  	_ =	shalt  }
0x46: {  	_ =	shalt  }
0x47: {  	_ =	shalt  }
0x48: {  	_ =	shalt  }
0x49: {  	_ =	shalt  }
0x4a: {  	_ =	shalt  }
0x4b: {  	_ =	shalt  }
0x4c: {  	_ =	shalt  }
0x4d: {  	_ =	shalt  }
0x4e: {  	_ =	shalt  }
0x4f: {  	_ =	shalt  }
0x50: {  	_ =	shalt  }
0x51: {  	_ =	shalt  }
0x52: {  	_ =	shalt  }
0x53: {  	_ =	shalt  }
0x54: {  	_ =	shalt  }
0x55: {  	_ =	shalt  }
0x56: {  	_ =	shalt  }
0x57: {  	_ =	shalt  }
0x58: {  	_ =	shalt  }
0x59: {  	_ =	shalt  }
0x5a: {  	_ =	shalt  }
0x5b: {  	_ =	shalt  }
0x5c: {  	_ =	shalt  }
0x5d: {  	_ =	shalt  }
0x5e: {  	_ =	shalt  }
0x5f: {  	_ =	shalt  }
0x60: {  	_ =	shalt  }
0x61: {  	_ =	shalt  }
0x62: {  	_ =	shalt  }
0x63: {  	_ =	shalt  }
0x64: {  	_ =	shalt  }
0x65: {  	_ =	shalt  }
0x66: {  	_ =	shalt  }
0x67: {  	_ =	shalt  }
0x68: {  	_ =	shalt  }
0x69: {  	_ =	shalt  }
0x6a: {  	_ =	shalt  }
0x6b: {  	_ =	shalt  }
0x6c: {  	_ =	shalt  }
0x6d: {  	_ =	shalt  }
0x6e: {  	_ =	shalt  }
0x6f: {  	_ =	shalt  }
0x70: {  	_ =	shalt  }
0x71: {  	_ =	shalt  }
0x72: {  	_ =	shalt  }
0x73: {  	_ =	shalt  }
0x74: {  	_ =	shalt  }
0x75: {  	_ =	shalt  }
0x76: {  	_ =	shalt  }
0x77: {  	_ =	shalt  }
0x78: {  	_ =	shalt  }
0x79: {  	_ =	shalt  }
0x7a: {  	_ =	shalt  }
0x7b: {  	_ =	shalt  }
0x7c: {  	_ =	shalt  }
0x7d: {  	_ =	shalt  }
0x7e: {  	_ =	shalt  }
0x7f: {  	_ =	shalt  }
0x80: {  	_ =	shalt  }
0x81: {  	_ =	shalt  }
0x82: {  	_ =	shalt  }
0x83: {  	_ =	shalt  }
0x84: {  	_ =	shalt  }
0x85: {  	_ =	shalt  }
0x86: {  	_ =	shalt  }
0x87: {  	_ =	shalt  }
.Lfunc_end0:
.L_simem_size_0:
called_computation.2_lowered:
.L_overlay_start_0:
0x88: {  	s2 =	sld [smem:$0x3FD9]  }
0x89: {  	s3 =	sld [smem:$0x3FFE];
	_ =	sdelay $0x1  }
0x8a: {  	s1 =	srdreg.scid  }
0x8b: {  	s0 =	sand.u32 $0x1, s1  }
0x8c: {  	s17 =	sshll.u32 s0, $0xA;
	s2 =	sadd.s32 s3, s2  }
0x8d: {  	s2 =	sadd.s32 s2, s17  }
0x8e: {  	[smem:$0x3FC1] =	sst s2  }
0x8f: {  	_ = 	snop  }
0x90: {  	(tm) =	ssettm $0x1  }
0x91: {  	s18 =	sld [smem:$0x3FFB];
	_ =	sdelay $0x3  }
0x92: {  	_ =	strace s18  }
0x93: {  	s2 =	sld [smem:$0x3FFC];
	_ =	sdelay $0x3  }
0x94: {  	_ =	strace s2  }
0x95: {  	s2 =	sld [smem:$0x3FFD];
	_ =	sdelay $0x3  }
0x96: {  	_ =	strace s2  }
0x97: {  	_ =	strace $0x8FFFFFFF  }
0x98: {  	s19 =	sld [smem:$0x3FDB];
	_ =	sdelay $0x1  }
0x99: {  	s20 =	simm.s32 $_scs_section_size  }
0x9a: {  	s4 =	simm.s32 $_size__tile_overlayer_lowered;
	s5 =	simm.s32 $_tile_overlayer_lowered  }
0x9b: {  	s6 =	simm.s32 $0x1BFF;
	s21 =	sshll.u32 s5, $0x1;
	s3 =	sadd.s32 s20, s19  }
0x9c: {  	s22 =	simm.s32 $0x0;
	s4 =	sshll.u32 s4, $0x1;
	s5 =	sadd.s32 s21, s3  }
0x9d: {  	[timem:s22], [sflag:s6] =	dma.local [hbm:s5], s4  }
0x9e: {  	_ =	swait.ge [sflag:s6], s4  }
0x9f: {  	s4 =	ssub.s32 $0x0, s4;
	[sflag:s6] =	ssyncset.done $0x0  }
0xa0: {  	[sflag:s6] =	ssyncadd.s32 s4;
	_ =	sdelay $0x1  }
0xa1: {  	s23 =	simm.s32 $0x1B8B  }
0xa2: {  	_ =	swait.ge [sflag:s23], $0x1  }
0xa3: {  	[sflag:s23] =	ssyncset.done $0x0  }
0xa4: {  	[sflag:s23] =	ssyncadd.s32 $0xFFFFFFFF  }
0xa5: {  	s4 =	sld [smem:$0x0]  }
0xa6: {  	s5 =	sand.u32 $0xFFFFFFFE, s1  }
0xa7: {  	p0 =	sne.s32 s1, s5  }
0xa8: {  	s5 =	sshll.u32 @p0 s5, $0xE  }
0xa9: {  	s5 =	sadd.s32 @p0 $0x11B8D, s5;
	s6 =	sshll.u32 @p0 s4, $0x11  }
0xaa: {  	s5 =	sor.u32 @p0 s6, s5  }
0xab: {  	[sflag:s5] =	ssyncadd.remote.s32 @p0 $0x1;
	_ =	sdelay $0x1  }
0xac: {  	s5 =	simm.s32 @p0 $0x1B8D  }
0xad: {  	_ =	swait.eq @p0 [sflag:s5], $0x1  }
0xae: {  	[sflag:s5] =	ssyncadd.s32 @p0 $0xFFFFFFFF  }
0xaf: {  	s6 =	sshll.u32 @!p0 s1, $0xE  }
0xb0: {  	s6 =	sor.u32 @!p0 $0x4000, s6;
	s5 =	simm.s32 @!p0 $0x1B8D  }
0xb1: {  	s4 =	sshll.u32 @!p0 s4, $0x11;
	s6 =	sadd.s32 @!p0 $0x11B8D, s6;
	_ =	swait.eq @!p0 [sflag:s5], $0x1  }
0xb2: {  	s4 =	sor.u32 @!p0 s4, s6;
	[sflag:s5] =	ssyncadd.s32 @!p0 $0xFFFFFFFF  }
0xb3: {  	s25 =	simm.s32 $0x1B8E;
	s24 =	sld [smem:$0x3FFE];
	[sflag:s4] =	ssyncadd.remote.s32 @!p0 $0x1  }
0xb4: {  	s26 =	simm.s32 $execute0_lowered;
	[smem:$0x3FD2] =	sst s25  }
0xb5: {  	s5 =	sshll.u32 s26, $0x1;
	_ =	strace $0x80000049;
	[dreg:$0x1] =	wrdreg $0xFFFFFFFF  }
0xb6: {  	s28 =	simm.s32 $_size_execute0_lowered;
	s3 =	sadd.s32 s3, s5;
	[dreg:$0x0] =	wrdreg $0x0  }
0xb7: {  	s5 =	sshll.u32 s28, $0x1;
	[dreg:$0x2] =	wrdreg s3  }
0xb8: {  	[dreg:$0x3] =	wrdreg s5  }
0xb9: {  	[dreg:$0x4] =	wrdreg $0xC0  }
0xba: {  	_ =	task [dreg:s22], $0x5FFFF  }
0xbb: {  	[dreg:$0x1] =	wrdreg $0xFFFFFFFF  }
0xbc: {  	[dreg:$0x0] =	wrdreg $0x60  }
0xbd: {  	[dreg:$0x2] =	wrdreg s24  }
0xbe: {  	[dreg:$0x3] =	wrdreg $0xB  }
0xbf: {  	_ =	task.clear_ibuf [dreg:s22], $0x4FFFF;
	_ =	strace $0x90000049  }
0xc0: {  	s29 =	simm.s32 $0xB;
	_ =	strace $0x8000004B  }
0xc1: {  	_ =	swait.ge [sflag:s29], $0x1  }
0xc2: {  	[sflag:s29] =	ssyncadd.s32 $0xFFFFFFFF  }
0xc3: {  	_ =	strace $0x9000004B  }
0xc4: {  	_ =	sfence  }
0xc5: {  	s30 =	sld [smem:$0x0];
	_ =	sdelay $0x2  }
0xc6: {  	s31 =	sshll.u32 s1, $0xD;
	s1 =	sshrl.u32 s1, $0x2  }
0xc7: {  	s4 =	sand.u32 $0x4000, s31;
	s1 =	sadd.s32 s1, s30  }
0xc8: {  	s0 =	sor.u32 s4, s0;
	s1 =	sshll.u32 s1, $0x11  }
0xc9: {  	s0 =	sor.u32 s1, s0  }
0xca: {  	s0 =	sadd.s32 $0x8F2B, s0  }
0xcb: {  	[sflag:s0] =	ssyncadd.remote.s32 $0x1  }
0xcc: {  	_ =	sfence.sel $0xFFFF  }
0xcd: {  	[dreg:$0x0] =	wrdreg $0xFFFFFFFF;
	(pc) =	sbr.abs _section_cstart, $3  }
0xce: {  	[dreg:$0x1] =	wrdreg $0xFFFFFFFF  }
0xcf: {  	_ =	task.clear_ibuf [dreg:s22], $0x2FFFF;
	_ =	strace $0x9FFFFFFF  }
0xd0: {  	(tm) =	ssettm $0x7FFFFFFF  }
0xd1: {  	_ =	shalt  }
tec
execute0_lowered:
.L_overlay_start_1:
0x0: {  	(tag) =	ssettag $0x1  }
0x1: {  	s4 =	rddreg [dreg:$0x0]  }
0x2: {  	s0 =	rddreg [dreg:$0x1];
	s2 =	simm.s32 $0x0;
	s3 =	srdreg.scid  }
0x3: {  	s1 =	stileid.u32;
	s10 =	simm.s32 $0x0;
	[smem:$0x7FF] =	sst s2  }
0x4: {  	s5 =	sand.u32 $0x1, s3;
	s6 =	sshll.u32 s1, $0xC;
	s3 =	sadd.s32 $0x124E00, s4  }
0x5: {  	s8 =	sshll.u32 s1, $0x10;
	_ =	strace $0x8000004A;
	s7 =	sshll.u32 s5, $0xB  }
0x6: {  	s31 =	ssub.s32 $0x2, s5;
	s8 =	sadd.s32 s8, s4;
	s5 =	sshll.u32 s5, $0xF  }
0x7: {  	s6 =	sor.u32 s7, s6;
	s9 =	sshrl.u32 s31, $0x1;
	s5 =	sadd.s32 s5, s8  }
0x8: {  	s8 =	simm.s32 $0x80;
	s6 =	sshrl.u32 s6, $0x3;
	s7 =	ssub.s32 s31, s9  }
0x9: {  	s5 =	sadd.s32 $0x146E00, s5;
	s9 =	simm.s32 $0x1;
	s6 =	sadd.s32 s6, s4  }
0xa: {  	s4 =	smax.u32 s7, $0x1;
	s7 =	simm.s32 $0x2;
	s6 =	sadd.s32 $0x144E00, s6  }
.LBB2_1:
0xb: {  	s11 =	sadd.s32 $0x0, s6  }
0xc: {  	[tilespmem:s2], [sflag:$0x2] =	stream.linear.gather [hbm4b:s11+s2], $0x80, $0x38;
	[tilespmem:$0x4080] =	vst v63  }
0xd: {  	_ =	swait.ge [sflag:s7], $0x80  }
0xe: {  	[sflag:s7] =	ssyncset.done $0x0  }
0xf: {  	[sflag:s7] =	ssyncadd.s32 $0xFFFFFF80  }
0x10: {  	[tilespmem:s8], [sflag:$0x1] =	stream.indirect.gather [hbm4b:s3+s8], $0x80, s2, s8, $0xb8;
	[tilespmem:$0x4080] =	vst v63  }
0x11: {  	_ =	swait.ge [sflag:s9], $0x4000  }
0x12: {  	[sflag:s9] =	ssyncset.done $0x0  }
0x13: {  	[sflag:s9] =	ssyncadd.s32 $0xFFFFC000  }
0x14: {  	[hbm4b:s5+s2] =	stream.linear.scatter [tilespmem:s8], [sflag:$0x2], $0x4000, $0x38;
	[tilespmem:$0x4080] =	vst v63  }
0x15: {  	s12 =	simm.s32 $0x10;
	_ =	swait.ge [sflag:s7], $0x4000  }
0x16: {  	s13 =	simm.s32 $0x20;
	s11 =	sadd.s32 $0x800, s5;
	[sflag:s7] =	ssyncset.done $0x0  }
.LBB2_2:
0x17: {  	s14 =	sadd.s32 s12, s6  }
0x18: {  	[sflag:s7] =	ssyncadd.s32 $0xFFFFC000;
	s12 =	smov.u32 s13;
	s15 =	sadd.s32 $0x10, s13  }
0x19: {  	[tilespmem:s2], [sflag:$0x2] =	stream.linear.gather [hbm4b:s14+s2], $0x80, $0x38;
	[tilespmem:$0x4080] =	vst v63  }
0x1a: {  	p0 =	sne.s32 s13, $0xF0;
	_ =	swait.ge [sflag:s7], $0x80  }
0x1b: {  	[sflag:s7] =	ssyncset.done $0x0  }
0x1c: {  	[sflag:s7] =	ssyncadd.s32 $0xFFFFFF80  }
0x1d: {  	[tilespmem:s8], [sflag:$0x1] =	stream.indirect.gather [hbm4b:s3+s8], $0x80, s2, s8, $0xb8;
	[tilespmem:$0x4080] =	vst v63  }
0x1e: {  	_ =	swait.ge [sflag:s9], $0x4000  }
.Ltmp0:
0x1f: {  	[sflag:s9] =	ssyncset.done $0x0;
	(pc) =	sbr.rel @p0 .LBB2_2-.Ltmp0, $4  }
0x20: {  	[sflag:s9] =	ssyncadd.s32 $0xFFFFC000  }
0x21: {  	[hbm4b:s11+s2] =	stream.linear.scatter [tilespmem:s8], [sflag:$0x2], $0x4000, $0x38;
	[tilespmem:$0x4080] =	vst v63  }
0x22: {  	_ =	swait.ge [sflag:s7], $0x4000  }
0x23: {  	s13 =	smov.u32 s15;
	s11 =	sadd.s32 $0x800, s11;
	[sflag:s7] =	ssyncset.done $0x0  }
0x24: {  	s12 =	sadd.s32 s12, s6;
	[sflag:s7] =	ssyncadd.s32 $0xFFFFC000  }
0x25: {  	[tilespmem:s2], [sflag:$0x2] =	stream.linear.gather [hbm4b:s12+s2], $0x80, $0x38;
	[tilespmem:$0x4080] =	vst v63  }
0x26: {  	_ =	swait.ge [sflag:s7], $0x80  }
0x27: {  	[sflag:s7] =	ssyncset.done $0x0  }
0x28: {  	[sflag:s7] =	ssyncadd.s32 $0xFFFFFF80  }
0x29: {  	[tilespmem:s8], [sflag:$0x1] =	stream.indirect.gather [hbm4b:s3+s8], $0x80, s2, s8, $0xb8;
	[tilespmem:$0x4080] =	vst v63  }
0x2a: {  	s10 =	sadd.s32 $0x1, s10;
	_ =	swait.ge [sflag:s9], $0x4000  }
0x2b: {  	p0 =	sne.s32 s10, s4;
	[sflag:s9] =	ssyncset.done $0x0  }
.Ltmp1:
0x2c: {  	[sflag:s9] =	ssyncadd.s32 $0xFFFFC000;
	(pc) =	sbr.rel @p0 .LBB2_1-.Ltmp1, $4  }
0x2d: {  	[hbm4b:s11+s2] =	stream.linear.scatter [tilespmem:s8], [sflag:$0x2], $0x4000, $0x38;
	[tilespmem:$0x4080] =	vst v63  }
0x2e: {  	_ =	swait.ge [sflag:s7], $0x4000  }
0x2f: {  	[sflag:s7] =	ssyncset.done $0x0  }
0x30: {  	[sflag:s7] =	ssyncadd.s32 $0xFFFFC000  }
0x31: {  	_ =	sfence.sel $0x180000  }
0x32: {  	[bflag:$0x0] =	sbarrier.arrive $0xFFFF  }
0x33: {  	p0 =	sne.s32 s1, $0x0;
	_ =	strace $0x9000004A  }
0x34: {  	s0 =	sadd.s32 @!p0 $0x100000, s0;
	[bflag:$0x2] =	sbarrier.arrive $0xFFFF  }
0x35: {  	[sflag:s0] =	ssyncadd.tile.s32 @!p0 $0x1;
	_ =	shalt  }
.Lfunc_end2:
_tile_overlayer_lowered:
.L_overlay_start_2:
0x36: {  	(tag) =	ssettag $0x2  }
0x37: {  	s0 =	rddreg [dreg:$0x0];
	s2 =	stileid.u32  }
0x38: {  	s1 =	rddreg [dreg:$0x1];
	p0 =	sne.s32 s2, $0x0  }
0x39: {  	s3 =	rddreg [dreg:$0x2];
	[bflag:$0x3] =	sbarrier.arrive $0xFFFF;
	s2 =	simm.s32 @!p0 $0x1C02  }
0x3a: {  	[timem:s3], [sflag:s2] =	dma.local @!p0 [hbm:s0], s1  }
0x3b: {  	s0 =	simm.s32 @!p0 $0x2  }
0x3c: {  	_ =	swait.ge @!p0 [sflag:s0], s1  }
0x3d: {  	s1 =	ssub.s32 @!p0 $0x0, s1;
	[sflag:s0] =	ssyncset.done @!p0 $0x0  }
0x3e: {  	[sflag:s0] =	ssyncadd.s32 @!p0 s1  }
0x3f: {  	[bflag:$0x3] =	sbarrier.arrive $0xFFFF  }
0x40: {  	_ =	shalt  }

// kernel: kernel.23.cloned.1.call-start
scs
__scs_entry_jumppad:
0x0: {  	(pc) =	sbr.rel $0x88, $3  }
0x1: {  	(tag) =	ssettag $0x0;
	lr =	simm.s32 $0x1  }
0x2: {  	[smem:$0x3F9A] =	sst lr;
	_ =	strace $0xD0000000  }
0x3: {  	_ = 	snop  }
0x4: {  	_ = 	snop  }
0x5: {  	_ = 	snop  }
0x6: {  	_ = 	snop  }
0x7: {  	_ = 	snop  }
__scs_overlays_trampoline_lowered:
0x8: {  	[smem:$0x3FA9] =	sst s0  }
0x9: {  	[smem:$0x3FAA] =	sst s1  }
0xa: {  	[smem:$0x3FAB] =	sst s2  }
0xb: {  	[smem:$0x3FAC] =	sst s3  }
0xc: {  	[smem:$0x3FAD] =	sst s4  }
0xd: {  	[smem:$0x3FAE] =	sst s5  }
0xe: {  	[smem:$0x3FAF] =	sst s6  }
0xf: {  	[smem:$0x3FB0] =	sst s7  }
0x10: {  	[smem:$0x3FB1] =	sst s8  }
0x11: {  	[smem:$0x3FB2] =	sst s9;
	s0 =	simm.s32 @!p0 $0x0  }
0x12: {  	s1 =	sld [smem:$0x3F98];
	s0 =	simm.s32 @p0 $0x1  }
0x13: {  	[smem:$0x3FB3] =	sst s0;
	s0 =	simm.s32 @!p1 $0x0  }
0x14: {  	s2 =	sld [smem:$0x3F97];
	s0 =	simm.s32 @p1 $0x1  }
0x15: {  	[smem:$0x3FB4] =	sst s0;
	s0 =	simm.s32 @!p2 $0x0  }
0x16: {  	s3 =	sld [smem:$0x3FDB];
	s0 =	simm.s32 @p2 $0x1  }
0x17: {  	s4 =	simm.s32 $0x1BF5;
	[smem:$0x3FB6] =	sst s0  }
0x18: {  	s0 =	sld [smem:$0x3F99];
	_ =	swait.ge [sflag:s4], $0x0  }
0x19: {  	s7 =	sld [smem:$0x3F9A]  }
0x1a: {  	s8 =	sadd.s32 $0xFFFFE003, lr  }
0x1b: {  	s9 =	sadd.s32 $0xFFFFFEF7, lr;
	s5 =	simm.s32 $0xFFFFFFFF;
	p2 =	slt.u32 s8, $0xFFFFF086  }
0x1c: {  	p1 =	slt.u32 s9, $0xF7A;
	s5 =	simm.s32 @!p2 $0x0  }
0x1d: {  	s5 =	simm.s32 @p1 $0x1;
	p0 =	seq.s32 s7, s2  }
0x1e: {  	s7 =	smul.u32 @!p0 $0xF7A, s2;
	p2 =	seq.s32 @!p0 s5, $0x0  }
0x1f: {  	s9 =	smul.u32 $0xF7A, s1;
	s8 =	simm.s32 @!p0 $0x1BF5;
	p2 =	por !p2, p0  }
0x20: {  	[sflag:s8] =	ssyncset.s32 @!p0 $0xFFFFF086;
	s6 =	sadd.s32 @!p0 s3, s7;
	s7 =	simm.s32 @!p0 $0x108  }
0x21: {  	s3 =	sadd.s32 s3, s9;
	s6 =	sadd.s32 @!p0 $0x88, s6;
	s7 =	simm.s32 @p2 $0x1082  }
0x22: {  	[simem:s7], [sflag:s8] =	dma.local @!p0 [hbm:s6], $0xF7A  }
0x23: {  	s9 =	sor.u32 $0xD0000000, s2;
	s6 =	simm.s32 $0x108;
	_ =	swait.ge @!p0 [sflag:s8], $0x0  }
0x24: {  	s3 =	sadd.s32 $0x88, s3;
	s6 =	simm.s32 @!p1 $0x1082;
	[sflag:s4] =	ssyncset.s32 $0xFFFFF086  }
0x25: {  	[simem:s6], [sflag:s4] =	dma.local [hbm:s3], $0xF7A  }
0x26: {  	[smem:$0x3F9A] =	sst s1;
	(tag) =	ssettag s2;
	_ =	strace s9  }
0x27: {  	s1 =	sld [smem:$0x3FAA]  }
0x28: {  	s2 =	sld [smem:$0x3FAB]  }
0x29: {  	s4 =	sld [smem:$0x3FAD]  }
0x2a: {  	p0 =	seq.s32 s5, $0x0;
	s5 =	sld [smem:$0x3FAE]  }
0x2b: {  	s6 =	sld [smem:$0x3FAF]  }
0x2c: {  	s7 =	sld [smem:$0x3FB0]  }
0x2d: {  	s3 =	simm.s32 $0x108;
	s8 =	sld [smem:$0x3FB1]  }
0x2e: {  	s3 =	simm.s32 @!p0 $0x1082;
	s9 =	sld [smem:$0x3FB2]  }
0x2f: {  	lr =	sadd.s32 s0, s3;
	s0 =	sld [smem:$0x3FA9]  }
0x30: {  	s3 =	sld [smem:$0x3FAC]  }
0x31: {  	[smem:$0x3FB5] =	sst s10  }
0x32: {  	s10 =	sld [smem:$0x3FB3];
	_ =	sdelay $0x3  }
0x33: {  	p0 =	seq.s32 s10, $0x1;
	s10 =	sld [smem:$0x3FB5];
	_ =	sdelay $0x3  }
0x34: {  	[smem:$0x3FB5] =	sst s10  }
0x35: {  	s10 =	sld [smem:$0x3FB4];
	_ =	sdelay $0x3  }
0x36: {  	p1 =	seq.s32 s10, $0x1;
	s10 =	sld [smem:$0x3FB5];
	_ =	sdelay $0x3  }
0x37: {  	[smem:$0x3FB5] =	sst s10  }
0x38: {  	s10 =	sld [smem:$0x3FB6]  }
0x39: {  	_ = 	snop;
	(pc) =	sbr.ind lr, $3  }
0x3a: {  	_ = 	snop  }
0x3b: {  	_ = 	snop  }
0x3c: {  	p2 =	seq.s32 s10, $0x1;
	s10 =	sld [smem:$0x3FB5]  }
0x3d: {  	_ =	shalt  }
0x3e: {  	_ =	shalt  }
0x3f: {  	_ =	shalt  }
0x40: {  	_ =	shalt  }
0x41: {  	_ =	shalt  }
0x42: {  	_ =	shalt  }
0x43: {  	_ =	shalt  }
0x44: {  	_ =	shalt  }
0x45: {  	_ =	shalt  }
0x46: {  	_ =	shalt  }
0x47: {  	_ =	shalt  }
0x48: {  	_ =	shalt  }
0x49: {  	_ =	shalt  }
0x4a: {  	_ =	shalt  }
0x4b: {  	_ =	shalt  }
0x4c: {  	_ =	shalt  }
0x4d: {  	_ =	shalt  }
0x4e: {  	_ =	shalt  }
0x4f: {  	_ =	shalt  }
0x50: {  	_ =	shalt  }
0x51: {  	_ =	shalt  }
0x52: {  	_ =	shalt  }
0x53: {  	_ =	shalt  }
0x54: {  	_ =	shalt  }
0x55: {  	_ =	shalt  }
0x56: {  	_ =	shalt  }
0x57: {  	_ =	shalt  }
0x58: {  	_ =	shalt  }
0x59: {  	_ =	shalt  }
0x5a: {  	_ =	shalt  }
0x5b: {  	_ =	shalt  }
0x5c: {  	_ =	shalt  }
0x5d: {  	_ =	shalt  }
0x5e: {  	_ =	shalt  }
0x5f: {  	_ =	shalt  }
0x60: {  	_ =	shalt  }
0x61: {  	_ =	shalt  }
0x62: {  	_ =	shalt  }
0x63: {  	_ =	shalt  }
0x64: {  	_ =	shalt  }
0x65: {  	_ =	shalt  }
0x66: {  	_ =	shalt  }
0x67: {  	_ =	shalt  }
0x68: {  	_ =	shalt  }
0x69: {  	_ =	shalt  }
0x6a: {  	_ =	shalt  }
0x6b: {  	_ =	shalt  }
0x6c: {  	_ =	shalt  }
0x6d: {  	_ =	shalt  }
0x6e: {  	_ =	shalt  }
0x6f: {  	_ =	shalt  }
0x70: {  	_ =	shalt  }
0x71: {  	_ =	shalt  }
0x72: {  	_ =	shalt  }
0x73: {  	_ =	shalt  }
0x74: {  	_ =	shalt  }
0x75: {  	_ =	shalt  }
0x76: {  	_ =	shalt  }
0x77: {  	_ =	shalt  }
0x78: {  	_ =	shalt  }
0x79: {  	_ =	shalt  }
0x7a: {  	_ =	shalt  }
0x7b: {  	_ =	shalt  }
0x7c: {  	_ =	shalt  }
0x7d: {  	_ =	shalt  }
0x7e: {  	_ =	shalt  }
0x7f: {  	_ =	shalt  }
0x80: {  	_ =	shalt  }
0x81: {  	_ =	shalt  }
0x82: {  	_ =	shalt  }
0x83: {  	_ =	shalt  }
0x84: {  	_ =	shalt  }
0x85: {  	_ =	shalt  }
0x86: {  	_ =	shalt  }
0x87: {  	_ =	shalt  }
.Lfunc_end0:
.L_simem_size_0:
called_computation.3_lowered:
.L_overlay_start_0:
0x88: {  	s2 =	sld [smem:$0x3FD9]  }
0x89: {  	s3 =	sld [smem:$0x3FFE];
	_ =	sdelay $0x1  }
0x8a: {  	s1 =	srdreg.scid  }
0x8b: {  	s0 =	sand.u32 $0x1, s1  }
0x8c: {  	s16 =	sshll.u32 s0, $0xA;
	s2 =	sadd.s32 s3, s2  }
0x8d: {  	s2 =	sadd.s32 s2, s16  }
0x8e: {  	[smem:$0x3FC1] =	sst s2  }
0x8f: {  	_ = 	snop  }
0x90: {  	(tm) =	ssettm $0x1  }
0x91: {  	s17 =	sld [smem:$0x3FFB];
	_ =	sdelay $0x3  }
0x92: {  	_ =	strace s17  }
0x93: {  	s2 =	sld [smem:$0x3FFC];
	_ =	sdelay $0x3  }
0x94: {  	_ =	strace s2  }
0x95: {  	s2 =	sld [smem:$0x3FFD];
	_ =	sdelay $0x3  }
0x96: {  	_ =	strace s2  }
0x97: {  	_ =	strace $0x8FFFFFFF  }
0x98: {  	s18 =	sld [smem:$0x3FDB];
	_ =	sdelay $0x1  }
0x99: {  	s19 =	simm.s32 $_scs_section_size  }
0x9a: {  	s4 =	simm.s32 $_size__tile_overlayer_lowered;
	s5 =	simm.s32 $_tile_overlayer_lowered  }
0x9b: {  	s22 =	simm.s32 $0x1BFF;
	s21 =	sshll.u32 s5, $0x1;
	s2 =	sadd.s32 s19, s18  }
0x9c: {  	s6 =	simm.s32 $0x0;
	s20 =	sshll.u32 s4, $0x1;
	s4 =	sadd.s32 s21, s2  }
0x9d: {  	[timem:s6], [sflag:s22] =	dma.local [hbm:s4], s20  }
0x9e: {  	_ =	swait.ge [sflag:s22], s20  }
0x9f: {  	s3 =	ssub.s32 $0x0, s20;
	[sflag:s22] =	ssyncset.done $0x0  }
0xa0: {  	[sflag:s22] =	ssyncadd.s32 s3;
	_ =	sdelay $0x1  }
0xa1: {  	s23 =	simm.s32 $0x1B8B  }
0xa2: {  	_ =	swait.ge [sflag:s23], $0x1  }
0xa3: {  	[sflag:s23] =	ssyncset.done $0x0  }
0xa4: {  	s25 =	simm.s32 $0x1B8E;
	s24 =	sld [smem:$0x3FFE];
	[sflag:s23] =	ssyncadd.s32 $0xFFFFFFFF  }
0xa5: {  	s26 =	simm.s32 $execute0_lowered;
	[smem:$0x3FD2] =	sst s25  }
0xa6: {  	s4 =	sshll.u32 s26, $0x1;
	_ =	strace $0x80000046;
	[dreg:$0x1] =	wrdreg $0xFFFFFFFF  }
0xa7: {  	s28 =	simm.s32 $_size_execute0_lowered;
	s2 =	sadd.s32 s2, s4;
	[dreg:$0x0] =	wrdreg $0x0  }
0xa8: {  	s4 =	sshll.u32 s28, $0x1;
	[dreg:$0x2] =	wrdreg s2  }
0xa9: {  	[dreg:$0x3] =	wrdreg s4  }
0xaa: {  	[dreg:$0x4] =	wrdreg $0xC0  }
0xab: {  	_ =	task [dreg:s6], $0x5FFFF  }
0xac: {  	[dreg:$0x1] =	wrdreg $0xFFFFFFFF  }
0xad: {  	[dreg:$0x0] =	wrdreg $0x60  }
0xae: {  	[dreg:$0x2] =	wrdreg s24  }
0xaf: {  	[dreg:$0x3] =	wrdreg $0xC  }
0xb0: {  	_ =	task.clear_ibuf [dreg:s6], $0x4FFFF;
	_ =	strace $0x90000046  }
0xb1: {  	s29 =	simm.s32 $0xC;
	_ =	strace $0x80000048  }
0xb2: {  	_ =	swait.ge [sflag:s29], $0x1  }
0xb3: {  	[sflag:s29] =	ssyncadd.s32 $0xFFFFFFFF  }
0xb4: {  	_ =	strace $0x90000048  }
0xb5: {  	_ =	sfence  }
0xb6: {  	s30 =	sld [smem:$0x0];
	_ =	sdelay $0x2  }
0xb7: {  	s31 =	sshll.u32 s1, $0xD;
	s1 =	sshrl.u32 s1, $0x2  }
0xb8: {  	s3 =	sand.u32 $0x4000, s31;
	s1 =	sadd.s32 s1, s30  }
0xb9: {  	s0 =	sor.u32 s3, s0;
	s1 =	sshll.u32 s1, $0x11  }
0xba: {  	s0 =	sor.u32 s1, s0  }
0xbb: {  	s0 =	sadd.s32 $0x8F2B, s0  }
0xbc: {  	[sflag:s0] =	ssyncadd.remote.s32 $0x1  }
0xbd: {  	_ =	sfence.sel $0xFFFF  }
0xbe: {  	[dreg:$0x0] =	wrdreg $0xFFFFFFFF;
	(pc) =	sbr.abs _section_cstart, $3  }
0xbf: {  	[dreg:$0x1] =	wrdreg $0xFFFFFFFF  }
0xc0: {  	_ =	task.clear_ibuf [dreg:s6], $0x2FFFF;
	_ =	strace $0x9FFFFFFF  }
0xc1: {  	(tm) =	ssettm $0x7FFFFFFF  }
tec
execute0_lowered:
.L_overlay_start_1:
0x0: {  	(tag) =	ssettag $0x1  }
0x1: {  	s4 =	rddreg [dreg:$0x0]  }
0x2: {  	s0 =	rddreg [dreg:$0x1];
	s2 =	simm.s32 $0x0;
	s3 =	srdreg.scid  }
0x3: {  	s1 =	stileid.u32;
	s10 =	simm.s32 $0x0;
	[smem:$0x7FF] =	sst s2  }
0x4: {  	s5 =	sand.u32 $0x1, s3;
	s6 =	sshll.u32 s1, $0xC;
	s3 =	sadd.s32 $0x2E00, s4  }
0x5: {  	s8 =	sshll.u32 s1, $0x10;
	_ =	strace $0x80000047;
	s7 =	sshll.u32 s5, $0xB  }
0x6: {  	s31 =	ssub.s32 $0x2, s5;
	s8 =	sadd.s32 s8, s4;
	s5 =	sshll.u32 s5, $0xF  }
0x7: {  	s6 =	sor.u32 s7, s6;
	s9 =	sshrl.u32 s31, $0x1;
	s5 =	sadd.s32 s5, s8  }
0x8: {  	s8 =	simm.s32 $0x80;
	s6 =	sshrl.u32 s6, $0x3;
	s7 =	ssub.s32 s31, s9  }
0x9: {  	s5 =	sadd.s32 $0x24E00, s5;
	s9 =	simm.s32 $0x1;
	s6 =	sadd.s32 s6, s4  }
0xa: {  	s4 =	smax.u32 s7, $0x1;
	s7 =	simm.s32 $0x2;
	s6 =	sadd.s32 $0x22E00, s6  }
.LBB2_1:
0xb: {  	s11 =	sadd.s32 $0x0, s6  }
0xc: {  	[tilespmem:s2], [sflag:$0x2] =	stream.linear.gather [hbm4b:s11+s2], $0x80, $0x38;
	[tilespmem:$0x4080] =	vst v63  }
0xd: {  	_ =	swait.ge [sflag:s7], $0x80  }
0xe: {  	[sflag:s7] =	ssyncset.done $0x0  }
0xf: {  	[sflag:s7] =	ssyncadd.s32 $0xFFFFFF80  }
0x10: {  	[tilespmem:s8], [sflag:$0x1] =	stream.indirect.gather [hbm4b:s3+s8], $0x80, s2, s8, $0xb8;
	[tilespmem:$0x4080] =	vst v63  }
0x11: {  	_ =	swait.ge [sflag:s9], $0x4000  }
0x12: {  	[sflag:s9] =	ssyncset.done $0x0  }
0x13: {  	[sflag:s9] =	ssyncadd.s32 $0xFFFFC000  }
0x14: {  	[hbm4b:s5+s2] =	stream.linear.scatter [tilespmem:s8], [sflag:$0x2], $0x4000, $0x38;
	[tilespmem:$0x4080] =	vst v63  }
0x15: {  	s12 =	simm.s32 $0x10;
	_ =	swait.ge [sflag:s7], $0x4000  }
0x16: {  	s13 =	simm.s32 $0x20;
	s11 =	sadd.s32 $0x800, s5;
	[sflag:s7] =	ssyncset.done $0x0  }
.LBB2_2:
0x17: {  	s14 =	sadd.s32 s12, s6  }
0x18: {  	[sflag:s7] =	ssyncadd.s32 $0xFFFFC000;
	s12 =	smov.u32 s13;
	s15 =	sadd.s32 $0x10, s13  }
0x19: {  	[tilespmem:s2], [sflag:$0x2] =	stream.linear.gather [hbm4b:s14+s2], $0x80, $0x38;
	[tilespmem:$0x4080] =	vst v63  }
0x1a: {  	p0 =	sne.s32 s13, $0xF0;
	_ =	swait.ge [sflag:s7], $0x80  }
0x1b: {  	[sflag:s7] =	ssyncset.done $0x0  }
0x1c: {  	[sflag:s7] =	ssyncadd.s32 $0xFFFFFF80  }
0x1d: {  	[tilespmem:s8], [sflag:$0x1] =	stream.indirect.gather [hbm4b:s3+s8], $0x80, s2, s8, $0xb8;
	[tilespmem:$0x4080] =	vst v63  }
0x1e: {  	_ =	swait.ge [sflag:s9], $0x4000  }
.Ltmp0:
0x1f: {  	[sflag:s9] =	ssyncset.done $0x0;
	(pc) =	sbr.rel @p0 .LBB2_2-.Ltmp0, $4  }
0x20: {  	[sflag:s9] =	ssyncadd.s32 $0xFFFFC000  }
0x21: {  	[hbm4b:s11+s2] =	stream.linear.scatter [tilespmem:s8], [sflag:$0x2], $0x4000, $0x38;
	[tilespmem:$0x4080] =	vst v63  }
0x22: {  	_ =	swait.ge [sflag:s7], $0x4000  }
0x23: {  	s13 =	smov.u32 s15;
	s11 =	sadd.s32 $0x800, s11;
	[sflag:s7] =	ssyncset.done $0x0  }
0x24: {  	s12 =	sadd.s32 s12, s6;
	[sflag:s7] =	ssyncadd.s32 $0xFFFFC000  }
0x25: {  	[tilespmem:s2], [sflag:$0x2] =	stream.linear.gather [hbm4b:s12+s2], $0x80, $0x38;
	[tilespmem:$0x4080] =	vst v63  }
0x26: {  	_ =	swait.ge [sflag:s7], $0x80  }
0x27: {  	[sflag:s7] =	ssyncset.done $0x0  }
0x28: {  	[sflag:s7] =	ssyncadd.s32 $0xFFFFFF80  }
0x29: {  	[tilespmem:s8], [sflag:$0x1] =	stream.indirect.gather [hbm4b:s3+s8], $0x80, s2, s8, $0xb8;
	[tilespmem:$0x4080] =	vst v63  }
0x2a: {  	s10 =	sadd.s32 $0x1, s10;
	_ =	swait.ge [sflag:s9], $0x4000  }
0x2b: {  	p0 =	sne.s32 s10, s4;
	[sflag:s9] =	ssyncset.done $0x0  }
.Ltmp1:
0x2c: {  	[sflag:s9] =	ssyncadd.s32 $0xFFFFC000;
	(pc) =	sbr.rel @p0 .LBB2_1-.Ltmp1, $4  }
0x2d: {  	[hbm4b:s11+s2] =	stream.linear.scatter [tilespmem:s8], [sflag:$0x2], $0x4000, $0x38;
	[tilespmem:$0x4080] =	vst v63  }
0x2e: {  	_ =	swait.ge [sflag:s7], $0x4000  }
0x2f: {  	[sflag:s7] =	ssyncset.done $0x0  }
0x30: {  	[sflag:s7] =	ssyncadd.s32 $0xFFFFC000  }
0x31: {  	_ =	sfence.sel $0x180000  }
0x32: {  	[bflag:$0x0] =	sbarrier.arrive $0xFFFF  }
0x33: {  	p0 =	sne.s32 s1, $0x0;
	_ =	strace $0x90000047  }
0x34: {  	s0 =	sadd.s32 @!p0 $0x100000, s0;
	[bflag:$0x2] =	sbarrier.arrive $0xFFFF  }
0x35: {  	[sflag:s0] =	ssyncadd.tile.s32 @!p0 $0x1;
	_ =	shalt  }
.Lfunc_end2:
_tile_overlayer_lowered:
.L_overlay_start_2:
0x36: {  	(tag) =	ssettag $0x2  }
0x37: {  	s0 =	rddreg [dreg:$0x0];
	s2 =	stileid.u32  }
0x38: {  	s1 =	rddreg [dreg:$0x1];
	p0 =	sne.s32 s2, $0x0  }
0x39: {  	s3 =	rddreg [dreg:$0x2];
	[bflag:$0x3] =	sbarrier.arrive $0xFFFF;
	s2 =	simm.s32 @!p0 $0x1C02  }
0x3a: {  	[timem:s3], [sflag:s2] =	dma.local @!p0 [hbm:s0], s1  }
0x3b: {  	s0 =	simm.s32 @!p0 $0x2  }
0x3c: {  	_ =	swait.ge @!p0 [sflag:s0], s1  }
0x3d: {  	s1 =	ssub.s32 @!p0 $0x0, s1;
	[sflag:s0] =	ssyncset.done @!p0 $0x0  }
0x3e: {  	[sflag:s0] =	ssyncadd.s32 @!p0 s1  }
0x3f: {  	[bflag:$0x3] =	sbarrier.arrive $0xFFFF  }
0x40: {  	_ =	shalt  }

</sc_bundles>
